<compile_context>
chip_gen: v7x
topology: tpu7x:2x2x1
jax: 0.10.2.dev20260603
libtpu: 0.0.44.dev20260713+nightly
codegen_flags: <defaults>
</compile_context>

<pallas_src>
import functools

import jax
import jax.numpy as jnp
from jax import lax
from jax.experimental import pallas as pl
from jax.experimental.pallas import tpu as pltpu
from jax.experimental.pallas import tpu_sc as plsc

N = 10000
E = 320000
D_IN = 128
D_H = 128
D_OUT = 64

NC = 2
NS = 16
NW = NC * NS

B = 128
SLOW_CORE = 0
CH_S = 56
CH_F = 101
CH_MAX = max(CH_S, CH_F)
E_S = NS * CH_S * B
E_F = NS * CH_F * B
N_PAD = 10240
RPT = N_PAD // NS
DUMMY = N

@functools.cache
def _mesh():
    return plsc.VectorSubcoreMesh(
        core_axis_name="c", subcore_axis_name="s", num_cores=NC, num_subcores=NS
    )


def _wid():
    return lax.axis_index("c") * NS + lax.axis_index("s")


@functools.cache
def _sc_degree():
    @functools.partial(
        pl.kernel,
        out_type=jax.ShapeDtypeStruct((NC, N_PAD, 16), jnp.float32),
        mesh=_mesh(),
        compiler_params=pltpu.CompilerParams(use_tc_tiling_on_sc=False),
        scratch_types=[
            pltpu.VMEM((CH_MAX, B), jnp.int32),
            pltpu.VMEM((B, 16), jnp.float32),
            pltpu.VMEM_SHARED((N_PAD, 16), jnp.float32),
        ],
    )
    def deg(dst_hbm, ones_hbm, zeros_hbm, out_hbm, dst_v, ones_v, acc):
        c = lax.axis_index("c")
        s = lax.axis_index("s")
        w = _wid()
        t_c = jnp.where(c == SLOW_CORE, CH_S, CH_F)
        pltpu.sync_copy(dst_hbm.at[w], dst_v)
        pltpu.sync_copy(ones_hbm, ones_v)
        pltpu.sync_copy(
            zeros_hbm.at[pl.ds(s * RPT, RPT)], acc.at[pl.ds(s * RPT, RPT)]
        )
        plsc.subcore_barrier()

        def chunk(j, carry):
            pltpu.sync_copy(ones_v, acc.at[dst_v.at[j]], add=True)
            return carry

        lax.fori_loop(0, t_c, chunk, 0)
        plsc.subcore_barrier()
        pltpu.sync_copy(
            acc.at[pl.ds(s * RPT, RPT)], out_hbm.at[c, pl.ds(s * RPT, RPT)]
        )

    return deg


@functools.cache
def _make_sc_aggregate(D):
    @functools.partial(
        pl.kernel,
        out_type=jax.ShapeDtypeStruct((NC, N_PAD, D), jnp.float32),
        mesh=_mesh(),
        compiler_params=pltpu.CompilerParams(use_tc_tiling_on_sc=False),
        scratch_types=[
            pltpu.VMEM((CH_MAX, B), jnp.int32),
            pltpu.VMEM((CH_MAX, B), jnp.int32),
            pltpu.VMEM((B, D), jnp.float32),
            pltpu.VMEM_SHARED((N_PAD, D), jnp.float32),
            pltpu.SemaphoreType.DMA,
        ],
    )
    def agg(y_hbm, src_hbm, dst_hbm, zeros_hbm, out_hbm,
            src_v, dst_v, rows_v, acc, sem):
        c = lax.axis_index("c")
        s = lax.axis_index("s")
        w = _wid()
        t_c = jnp.where(c == SLOW_CORE, CH_S, CH_F)
        pltpu.sync_copy(src_hbm.at[w], src_v)
        pltpu.sync_copy(dst_hbm.at[w], dst_v)
        pltpu.sync_copy(
            zeros_hbm.at[pl.ds(s * RPT, RPT)], acc.at[pl.ds(s * RPT, RPT)]
        )
        plsc.subcore_barrier()

        def chunk(j, carry):
            pltpu.async_copy(y_hbm.at[src_v.at[j]], rows_v, sem).wait()
            pltpu.sync_copy(rows_v, acc.at[dst_v.at[j]], add=True)
            return carry

        lax.fori_loop(0, t_c, chunk, 0)
        plsc.subcore_barrier()
        pltpu.sync_copy(
            acc.at[pl.ds(s * RPT, RPT)], out_hbm.at[c, pl.ds(s * RPT, RPT)]
        )

    return agg


R = 1024
_GRID = N_PAD // R


def _dinv_block(degp):
    deg = 1.0 + degp[0, :, 0:1] + degp[1, :, 0:1]
    return lax.rsqrt(deg)


def _tc1_body(x_ref, w1_ref, degp_ref, y1_ref):
    dinv = _dinv_block(degp_ref)
    xw = jnp.dot(x_ref[...], w1_ref[...], preferred_element_type=jnp.float32)
    y1_ref[...] = xw * dinv


def _tc2_body(s1_ref, y1_ref, degp_ref, b1_ref, w2_ref, y2_ref):
    dinv = _dinv_block(degp_ref)
    pre = dinv * (s1_ref[0] + s1_ref[1] + y1_ref[...]) + b1_ref[...]
    h = jnp.maximum(pre, 0.0)
    y2_ref[...] = jnp.dot(h, w2_ref[...], preferred_element_type=jnp.float32) * dinv


def _tc3_body(s2_ref, y2_ref, degp_ref, b2_ref, out_ref):
    dinv = _dinv_block(degp_ref)
    out_ref[...] = dinv * (s2_ref[0] + s2_ref[1] + y2_ref[...]) + b2_ref[...]


def _row_spec(d):
    return pl.BlockSpec((R, d), lambda i: (i, 0))


def _part_spec(d):
    return pl.BlockSpec((NC, R, d), lambda i: (0, i, 0))


_DEGP_SPEC = pl.BlockSpec((NC, R, 16), lambda i: (0, i, 0))


def _full_spec(shape):
    return pl.BlockSpec(shape, lambda i: tuple(0 for _ in shape))


_tc1 = pl.pallas_call(
    _tc1_body,
    grid=(_GRID,),
    in_specs=[_row_spec(D_IN), _full_spec((D_IN, D_H)), _DEGP_SPEC],
    out_specs=_row_spec(D_H),
    out_shape=jax.ShapeDtypeStruct((N_PAD, D_H), jnp.float32),
)

_tc2 = pl.pallas_call(
    _tc2_body,
    grid=(_GRID,),
    in_specs=[
        _part_spec(D_H),
        _row_spec(D_H),
        _DEGP_SPEC,
        _full_spec((1, D_H)),
        _full_spec((D_H, D_OUT)),
    ],
    out_specs=_row_spec(D_OUT),
    out_shape=jax.ShapeDtypeStruct((N_PAD, D_OUT), jnp.float32),
)

_tc3 = pl.pallas_call(
    _tc3_body,
    grid=(_GRID,),
    in_specs=[_part_spec(D_OUT), _row_spec(D_OUT), _DEGP_SPEC, _full_spec((1, D_OUT))],
    out_specs=_row_spec(D_OUT),
    out_shape=jax.ShapeDtypeStruct((N_PAD, D_OUT), jnp.float32),
)


def _edge_layout(idx):
    slow = idx[:E_S].reshape(NS, CH_S, B)
    slow = jnp.pad(slow, ((0, 0), (0, CH_MAX - CH_S), (0, 0)),
                   constant_values=DUMMY)
    rest = jnp.concatenate(
        [idx[E_S:], jnp.full((E_F - (E - E_S),), DUMMY, jnp.int32)]
    )
    fast = rest.reshape(NS, CH_F, B)
    blocks = [slow, fast] if SLOW_CORE == 0 else [fast, slow]
    return jnp.concatenate(blocks, axis=0)


@jax.jit
def kernel(label_features, edge_index, W1, b1, W2, b2):
    xp = jnp.zeros((N_PAD, D_IN), jnp.float32).at[:N].set(label_features)
    src = _edge_layout(edge_index[0])
    dst = _edge_layout(edge_index[1])
    ones16 = jnp.ones((B, 16), jnp.float32)
    z16 = jnp.zeros((N_PAD, 16), jnp.float32)
    zh = jnp.zeros((N_PAD, D_H), jnp.float32)
    zo = jnp.zeros((N_PAD, D_OUT), jnp.float32)

    degp = _sc_degree()(dst, ones16, z16)

    y1 = _tc1(xp, W1, degp)
    s1p = _make_sc_aggregate(D_H)(y1, src, dst, zh)
    y2 = _tc2(s1p, y1, degp, b1.reshape(1, D_H), W2)
    s2p = _make_sc_aggregate(D_OUT)(y2, src, dst, zo)
    out = _tc3(s2p, y2, degp, b2.reshape(1, D_OUT))
    return out[:N]

# --- scband reference (transcript-rebuilt; emitter-appended) ---
"""Pipeline reference for scband-label-graph-refiner-56719338111441 (READ-ONLY COPY).

The authoritative reference and input builder live on the scoring server;
editing this copy changes nothing except your own understanding.
"""

import jax, jax.numpy as jnp
import numpy as np

N = 10000
E = 320000
D_IN = 128
D_H = 128
D_OUT = 64


def setup_inputs(seed: int = 0):
    key = jax.random.key(seed)
    k1, k2, k3, k4 = jax.random.split(key, 4)
    label_features = jax.random.normal(k1, (N, D_IN), dtype=jnp.float32)
    edge_index = jax.random.randint(k2, (2, E), 0, N, dtype=jnp.int32)
    W1 = jax.random.normal(k3, (D_IN, D_H), dtype=jnp.float32) * 0.05
    b1 = jnp.zeros((D_H,), dtype=jnp.float32)
    W2 = jax.random.normal(k4, (D_H, D_OUT), dtype=jnp.float32) * 0.05
    b2 = jnp.zeros((D_OUT,), dtype=jnp.float32)
    return {"label_features": label_features, "edge_index": edge_index, "W1": W1, "b1": b1, "W2": W2, "b2": b2}


def gcn_conv(x, edge_index, W, b):
    # GCNConv: symmetric normalization with self-loops, then linear transform
    src = edge_index[0]
    dst = edge_index[1]
    loop = jnp.arange(N, dtype=edge_index.dtype)
    src = jnp.concatenate([src, loop])
    dst = jnp.concatenate([dst, loop])
    deg = jnp.zeros((N,), dtype=x.dtype).at[dst].add(1.0)
    dinv = jnp.where(deg > 0, jax.lax.rsqrt(deg), 0.0)
    norm = dinv[src] * dinv[dst]
    xw = x @ W
    msg = xw[src] * norm[:, None]
    out = jnp.zeros((N, W.shape[1]), dtype=x.dtype).at[dst].add(msg)
    return out + b


def reference(label_features, edge_index, W1, b1, W2, b2):
    h = jax.nn.relu(gcn_conv(label_features, edge_index, W1, b1))
    return gcn_conv(h, edge_index, W2, b2)

if __name__ == "__main__":
    import jax
    _d = setup_inputs()
    print(jax.jit(kernel)(*tuple(_d.values())))

</pallas_src>

<mosaic_0001>
#map = affine_map<(d0, d1) -> (0, 0, 0)>
#map1 = affine_map<(d0, d1) -> (0, 0)>
module attributes {stable_mosaic.version = 14 : i64} {
  func.func @deg(%arg0: i32, %arg1: i32, %arg2: memref<32x101x128xi32, #tpu.memory_space<hbm>>, %arg3: memref<128x16xf32, #tpu.memory_space<hbm>>, %arg4: memref<10240x16xf32, #tpu.memory_space<hbm>>, %arg5: memref<2x10240x16xf32, #tpu.memory_space<hbm>>, %arg6: memref<101x128xi32, #tpu.memory_space<vmem>>, %arg7: memref<128x16xf32, #tpu.memory_space<vmem>>, %arg8: memref<10240x16xf32, #tpu.memory_space<vmem_shared>>) attributes {dimension_semantics = [#tpu.dimension_semantics<core_parallel>, #tpu.dimension_semantics<subcore_parallel>], iteration_bounds = array<i64: 2, 16>, scalar_prefetch = 0 : i64, scratch_operands = 3 : i64, tpu.core_type = #tpu.core_type<sc_vector_subcore>, window_params = [{transform_indices = #map}, {transform_indices = #map1}, {transform_indices = #map1}, {transform_indices = #map}]} {
    %mul3A = arith.constant 16 : i32
    %mul3A_0 = arith.muli %arg0, %mul3A : i32
    %add3A = arith.addi %mul3A_0, %arg1 : i32
    %eq3A = arith.constant 0 : i32
    %eq3A_1 = arith.cmpi eq, %arg0, %eq3A : i32
    %jit3A = arith.constant 56 : i32
    %jit3A_2 = arith.constant 101 : i32
    %select_n3A = arith.select %eq3A_1, %jit3A, %jit3A_2 : i32
    "tpu.region"() ({
      %run_scoped3A = tpu.sem_alloc : memref<!tpu.dma_semaphore, #tpu.memory_space<semaphore_mem>>
      %dma_start3A = arith.constant 0 : i32
      %dma_start3A_21 = arith.constant 0 : i32
      %dma_start3A_22 = tpu.memref_slice %arg2[%add3A, %dma_start3A, %dma_start3A_21] : memref<32x101x128xi32, #tpu.memory_space<hbm>> -> memref<1x101x128xi32, #tpu.memory_space<hbm>>
      %dma_start3A_23 = tpu.memref_squeeze %dma_start3A_22 : memref<1x101x128xi32, #tpu.memory_space<hbm>> -> memref<101x128xi32, #tpu.memory_space<hbm>>
      %dma_start3A_24 = arith.constant 0 : i32
      %dma_start3A_25 = arith.constant 0 : i32
      %dma_start3A_26 = tpu.memref_slice %arg2[%add3A, %dma_start3A_24, %dma_start3A_25] : memref<32x101x128xi32, #tpu.memory_space<hbm>> -> memref<1x101x128xi32, #tpu.memory_space<hbm>>
      %dma_start3A_27 = tpu.memref_squeeze %dma_start3A_26 : memref<1x101x128xi32, #tpu.memory_space<hbm>> -> memref<101x128xi32, #tpu.memory_space<hbm>>
      tpu.enqueue_dma source(%dma_start3A_27 : memref<101x128xi32, #tpu.memory_space<hbm>>) target(%arg6 : memref<101x128xi32, #tpu.memory_space<vmem>>) target_semaphore(%run_scoped3A : memref<!tpu.dma_semaphore, #tpu.memory_space<semaphore_mem>>)
      %dma_wait3A = arith.constant 0 : i32
      %dma_wait3A_28 = arith.constant 0 : i32
      %dma_wait3A_29 = tpu.memref_slice %arg2[%add3A, %dma_wait3A, %dma_wait3A_28] : memref<32x101x128xi32, #tpu.memory_space<hbm>> -> memref<1x101x128xi32, #tpu.memory_space<hbm>>
      %dma_wait3A_30 = tpu.memref_squeeze %dma_wait3A_29 : memref<1x101x128xi32, #tpu.memory_space<hbm>> -> memref<101x128xi32, #tpu.memory_space<hbm>>
      %dma_wait3A_31 = arith.constant 0 : i32
      %dma_wait3A_32 = arith.constant 0 : i32
      %dma_wait3A_33 = tpu.memref_slice %arg2[%add3A, %dma_wait3A_31, %dma_wait3A_32] : memref<32x101x128xi32, #tpu.memory_space<hbm>> -> memref<1x101x128xi32, #tpu.memory_space<hbm>>
      %dma_wait3A_34 = tpu.memref_squeeze %dma_wait3A_33 : memref<1x101x128xi32, #tpu.memory_space<hbm>> -> memref<101x128xi32, #tpu.memory_space<hbm>>
      tpu.wait_dma2 semaphore(%run_scoped3A : memref<!tpu.dma_semaphore, #tpu.memory_space<semaphore_mem>>) src(%dma_wait3A_34 : memref<101x128xi32, #tpu.memory_space<hbm>>) dst(%arg6 : memref<101x128xi32, #tpu.memory_space<vmem>>)
      tpu.yield
    }) : () -> ()
    "tpu.region"() ({
      %run_scoped3A = tpu.sem_alloc : memref<!tpu.dma_semaphore, #tpu.memory_space<semaphore_mem>>
      tpu.enqueue_dma source(%arg3 : memref<128x16xf32, #tpu.memory_space<hbm>>) target(%arg7 : memref<128x16xf32, #tpu.memory_space<vmem>>) target_semaphore(%run_scoped3A : memref<!tpu.dma_semaphore, #tpu.memory_space<semaphore_mem>>)
      tpu.wait_dma2 semaphore(%run_scoped3A : memref<!tpu.dma_semaphore, #tpu.memory_space<semaphore_mem>>) src(%arg3 : memref<128x16xf32, #tpu.memory_space<hbm>>) dst(%arg7 : memref<128x16xf32, #tpu.memory_space<vmem>>)
      tpu.yield
    }) : () -> ()
    %mul3A_3 = arith.constant 640 : i32
    %mul3A_4 = arith.muli %arg1, %mul3A_3 : i32
    %mul3A_5 = arith.constant 640 : i32
    %mul3A_6 = arith.muli %arg1, %mul3A_5 : i32
    "tpu.region"() ({
      %run_scoped3A = tpu.sem_alloc : memref<!tpu.dma_semaphore, #tpu.memory_space<semaphore_mem>>
      %dma_start3A = arith.constant 0 : i32
      %dma_start3A_21 = tpu.memref_slice %arg8[%mul3A_6, %dma_start3A] : memref<10240x16xf32, #tpu.memory_space<vmem_shared>> -> memref<640x16xf32, #tpu.memory_space<vmem_shared>>
      %dma_start3A_22 = arith.constant 0 : i32
      %dma_start3A_23 = tpu.memref_slice %arg4[%mul3A_4, %dma_start3A_22] : memref<10240x16xf32, #tpu.memory_space<hbm>> -> memref<640x16xf32, #tpu.memory_space<hbm>>
      tpu.enqueue_dma source(%dma_start3A_23 : memref<640x16xf32, #tpu.memory_space<hbm>>) target(%dma_start3A_21 : memref<640x16xf32, #tpu.memory_space<vmem_shared>>) target_semaphore(%run_scoped3A : memref<!tpu.dma_semaphore, #tpu.memory_space<semaphore_mem>>)
      %dma_wait3A = arith.constant 0 : i32
      %dma_wait3A_24 = tpu.memref_slice %arg8[%mul3A_6, %dma_wait3A] : memref<10240x16xf32, #tpu.memory_space<vmem_shared>> -> memref<640x16xf32, #tpu.memory_space<vmem_shared>>
      %dma_wait3A_25 = arith.constant 0 : i32
      %dma_wait3A_26 = tpu.memref_slice %arg4[%mul3A_4, %dma_wait3A_25] : memref<10240x16xf32, #tpu.memory_space<hbm>> -> memref<640x16xf32, #tpu.memory_space<hbm>>
      tpu.wait_dma2 semaphore(%run_scoped3A : memref<!tpu.dma_semaphore, #tpu.memory_space<semaphore_mem>>) src(%dma_wait3A_26 : memref<640x16xf32, #tpu.memory_space<hbm>>) dst(%dma_wait3A_24 : memref<640x16xf32, #tpu.memory_space<vmem_shared>>)
      tpu.yield
    }) : () -> ()
    %barrier3A = arith.constant 0 : index
    tpu.barrier barrier_id(%barrier3A)
    %while3A = arith.constant 0 : i32
    %while3A_7 = arith.constant 0 : i32
    %while3A_8 = arith.subi %select_n3A, %while3A_7 : i32
    %while3A_9 = arith.addi %while3A_7, %while3A_8 : i32
    %while3A_10 = arith.constant 1 : i32
    %while3A_11 = arith.divsi %while3A_8, %while3A_10 : i32
    %while3A_12 = arith.muli %while3A_11, %while3A_10 : i32
    %while3A_13 = arith.addi %while3A_7, %while3A_12 : i32
    %while3A_14 = arith.constant 1 : i32
    scf.for %while3A_21 = %while3A_7 to %while3A_13 step %while3A_14  : i32 {
      "tpu.region"() ({
        %run_scoped3A = tpu.sem_alloc : memref<!tpu.dma_semaphore, #tpu.memory_space<semaphore_mem>>
        %dma_start3A = arith.constant 0 : i32
        %dma_start3A_22 = tpu.memref_slice %arg6[%while3A_21, %dma_start3A] : memref<101x128xi32, #tpu.memory_space<vmem>> -> memref<1x128xi32, #tpu.memory_space<vmem>>
        %dma_start3A_23 = tpu.memref_squeeze %dma_start3A_22 : memref<1x128xi32, #tpu.memory_space<vmem>> -> memref<128xi32, #tpu.memory_space<vmem>>
        %dma_start3A_24 = arith.constant 0 : i32
        %dma_start3A_25 = arith.constant 0 : i32
        %dma_start3A_26 = tpu.memref_slice %arg8[%dma_start3A_24, %dma_start3A_25] : memref<10240x16xf32, #tpu.memory_space<vmem_shared>> -> memref<10240x16xf32, #tpu.memory_space<vmem_shared>>
        tpu.enqueue_indirect_dma source(%arg7 : memref<128x16xf32, #tpu.memory_space<vmem>>) target(%dma_start3A_26 : memref<10240x16xf32, #tpu.memory_space<vmem_shared>>) offsets(%dma_start3A_23 : memref<128xi32, #tpu.memory_space<vmem>>) semaphore(%run_scoped3A : memref<!tpu.dma_semaphore, #tpu.memory_space<semaphore_mem>>) {add = true}
        %dma_wait3A = arith.constant 0 : i32
        %dma_wait3A_27 = tpu.memref_slice %arg6[%while3A_21, %dma_wait3A] : memref<101x128xi32, #tpu.memory_space<vmem>> -> memref<1x128xi32, #tpu.memory_space<vmem>>
        %dma_wait3A_28 = tpu.memref_squeeze %dma_wait3A_27 : memref<1x128xi32, #tpu.memory_space<vmem>> -> memref<128xi32, #tpu.memory_space<vmem>>
        %dma_wait3A_29 = arith.constant 0 : i32
        %dma_wait3A_30 = arith.constant 0 : i32
        %dma_wait3A_31 = tpu.memref_slice %arg8[%dma_wait3A_29, %dma_wait3A_30] : memref<10240x16xf32, #tpu.memory_space<vmem_shared>> -> memref<10240x16xf32, #tpu.memory_space<vmem_shared>>
        tpu.wait_indirect_dma semaphore(%run_scoped3A : memref<!tpu.dma_semaphore, #tpu.memory_space<semaphore_mem>>) src(%arg7 : memref<128x16xf32, #tpu.memory_space<vmem>>) dst(%dma_wait3A_31 : memref<10240x16xf32, #tpu.memory_space<vmem_shared>>)
        tpu.yield
      }) : () -> ()
    }
    %while3A_15 = arith.constant 1 : i32
    scf.for %while3A_21 = %while3A_13 to %while3A_9 step %while3A_15  : i32 {
      "tpu.region"() ({
        %run_scoped3A = tpu.sem_alloc : memref<!tpu.dma_semaphore, #tpu.memory_space<semaphore_mem>>
        %dma_start3A = arith.constant 0 : i32
        %dma_start3A_22 = tpu.memref_slice %arg6[%while3A_21, %dma_start3A] : memref<101x128xi32, #tpu.memory_space<vmem>> -> memref<1x128xi32, #tpu.memory_space<vmem>>
        %dma_start3A_23 = tpu.memref_squeeze %dma_start3A_22 : memref<1x128xi32, #tpu.memory_space<vmem>> -> memref<128xi32, #tpu.memory_space<vmem>>
        %dma_start3A_24 = arith.constant 0 : i32
        %dma_start3A_25 = arith.constant 0 : i32
        %dma_start3A_26 = tpu.memref_slice %arg8[%dma_start3A_24, %dma_start3A_25] : memref<10240x16xf32, #tpu.memory_space<vmem_shared>> -> memref<10240x16xf32, #tpu.memory_space<vmem_shared>>
        tpu.enqueue_indirect_dma source(%arg7 : memref<128x16xf32, #tpu.memory_space<vmem>>) target(%dma_start3A_26 : memref<10240x16xf32, #tpu.memory_space<vmem_shared>>) offsets(%dma_start3A_23 : memref<128xi32, #tpu.memory_space<vmem>>) semaphore(%run_scoped3A : memref<!tpu.dma_semaphore, #tpu.memory_space<semaphore_mem>>) {add = true}
        %dma_wait3A = arith.constant 0 : i32
        %dma_wait3A_27 = tpu.memref_slice %arg6[%while3A_21, %dma_wait3A] : memref<101x128xi32, #tpu.memory_space<vmem>> -> memref<1x128xi32, #tpu.memory_space<vmem>>
        %dma_wait3A_28 = tpu.memref_squeeze %dma_wait3A_27 : memref<1x128xi32, #tpu.memory_space<vmem>> -> memref<128xi32, #tpu.memory_space<vmem>>
        %dma_wait3A_29 = arith.constant 0 : i32
        %dma_wait3A_30 = arith.constant 0 : i32
        %dma_wait3A_31 = tpu.memref_slice %arg8[%dma_wait3A_29, %dma_wait3A_30] : memref<10240x16xf32, #tpu.memory_space<vmem_shared>> -> memref<10240x16xf32, #tpu.memory_space<vmem_shared>>
        tpu.wait_indirect_dma semaphore(%run_scoped3A : memref<!tpu.dma_semaphore, #tpu.memory_space<semaphore_mem>>) src(%arg7 : memref<128x16xf32, #tpu.memory_space<vmem>>) dst(%dma_wait3A_31 : memref<10240x16xf32, #tpu.memory_space<vmem_shared>>)
        tpu.yield
      }) : () -> ()
    }
    %barrier3A_16 = arith.constant 0 : index
    tpu.barrier barrier_id(%barrier3A_16)
    %mul3A_17 = arith.constant 640 : i32
    %mul3A_18 = arith.muli %arg1, %mul3A_17 : i32
    %mul3A_19 = arith.constant 640 : i32
    %mul3A_20 = arith.muli %arg1, %mul3A_19 : i32
    "tpu.region"() ({
      %run_scoped3A = tpu.sem_alloc : memref<!tpu.dma_semaphore, #tpu.memory_space<semaphore_mem>>
      %dma_start3A = arith.constant 0 : i32
      %dma_start3A_21 = tpu.memref_slice %arg5[%arg0, %mul3A_20, %dma_start3A] : memref<2x10240x16xf32, #tpu.memory_space<hbm>> -> memref<1x640x16xf32, #tpu.memory_space<hbm>>
      %dma_start3A_22 = tpu.memref_squeeze %dma_start3A_21 : memref<1x640x16xf32, #tpu.memory_space<hbm>> -> memref<640x16xf32, #tpu.memory_space<hbm>>
      %dma_start3A_23 = arith.constant 0 : i32
      %dma_start3A_24 = tpu.memref_slice %arg8[%mul3A_18, %dma_start3A_23] : memref<10240x16xf32, #tpu.memory_space<vmem_shared>> -> memref<640x16xf32, #tpu.memory_space<vmem_shared>>
      tpu.enqueue_dma source(%dma_start3A_24 : memref<640x16xf32, #tpu.memory_space<vmem_shared>>) target(%dma_start3A_22 : memref<640x16xf32, #tpu.memory_space<hbm>>) target_semaphore(%run_scoped3A : memref<!tpu.dma_semaphore, #tpu.memory_space<semaphore_mem>>)
      %dma_wait3A = arith.constant 0 : i32
      %dma_wait3A_25 = tpu.memref_slice %arg5[%arg0, %mul3A_20, %dma_wait3A] : memref<2x10240x16xf32, #tpu.memory_space<hbm>> -> memref<1x640x16xf32, #tpu.memory_space<hbm>>
      %dma_wait3A_26 = tpu.memref_squeeze %dma_wait3A_25 : memref<1x640x16xf32, #tpu.memory_space<hbm>> -> memref<640x16xf32, #tpu.memory_space<hbm>>
      %dma_wait3A_27 = arith.constant 0 : i32
      %dma_wait3A_28 = tpu.memref_slice %arg8[%mul3A_18, %dma_wait3A_27] : memref<10240x16xf32, #tpu.memory_space<vmem_shared>> -> memref<640x16xf32, #tpu.memory_space<vmem_shared>>
      tpu.wait_dma2 semaphore(%run_scoped3A : memref<!tpu.dma_semaphore, #tpu.memory_space<semaphore_mem>>) src(%dma_wait3A_28 : memref<640x16xf32, #tpu.memory_space<vmem_shared>>) dst(%dma_wait3A_26 : memref<640x16xf32, #tpu.memory_space<hbm>>)
      tpu.yield
    }) : () -> ()
    return
  }
}

#map = affine_map<(d0, d1) -> (0, 0)>
#map1 = affine_map<(d0, d1) -> (0, 0, 0)>
module attributes {stable_mosaic.version = 14 : i64} {
  func.func @agg(%arg0: i32, %arg1: i32, %arg2: memref<10240x64xf32, #tpu.memory_space<hbm>>, %arg3: memref<32x101x128xi32, #tpu.memory_space<hbm>>, %arg4: memref<32x101x128xi32, #tpu.memory_space<hbm>>, %arg5: memref<10240x64xf32, #tpu.memory_space<hbm>>, %arg6: memref<2x10240x64xf32, #tpu.memory_space<hbm>>, %arg7: memref<101x128xi32, #tpu.memory_space<vmem>>, %arg8: memref<101x128xi32, #tpu.memory_space<vmem>>, %arg9: memref<128x64xf32, #tpu.memory_space<vmem>>, %arg10: memref<10240x64xf32, #tpu.memory_space<vmem_shared>>, %arg11: memref<!tpu.dma_semaphore, #tpu.memory_space<semaphore_mem>>) attributes {dimension_semantics = [#tpu.dimension_semantics<core_parallel>, #tpu.dimension_semantics<subcore_parallel>], iteration_bounds = array<i64: 2, 16>, scalar_prefetch = 0 : i64, scratch_operands = 5 : i64, tpu.core_type = #tpu.core_type<sc_vector_subcore>, window_params = [{transform_indices = #map}, {transform_indices = #map1}, {transform_indices = #map1}, {transform_indices = #map}, {transform_indices = #map1}]} {
    %mul3A = arith.constant 16 : i32
    %mul3A_0 = arith.muli %arg0, %mul3A : i32
    %add3A = arith.addi %mul3A_0, %arg1 : i32
    %eq3A = arith.constant 0 : i32
    %eq3A_1 = arith.cmpi eq, %arg0, %eq3A : i32
    %jit3A = arith.constant 56 : i32
    %jit3A_2 = arith.constant 101 : i32
    %select_n3A = arith.select %eq3A_1, %jit3A, %jit3A_2 : i32
    "tpu.region"() ({
      %run_scoped3A = tpu.sem_alloc : memref<!tpu.dma_semaphore, #tpu.memory_space<semaphore_mem>>
      %dma_start3A = arith.constant 0 : i32
      %dma_start3A_21 = arith.constant 0 : i32
      %dma_start3A_22 = tpu.memref_slice %arg3[%add3A, %dma_start3A, %dma_start3A_21] : memref<32x101x128xi32, #tpu.memory_space<hbm>> -> memref<1x101x128xi32, #tpu.memory_space<hbm>>
      %dma_start3A_23 = tpu.memref_squeeze %dma_start3A_22 : memref<1x101x128xi32, #tpu.memory_space<hbm>> -> memref<101x128xi32, #tpu.memory_space<hbm>>
      %dma_start3A_24 = arith.constant 0 : i32
      %dma_start3A_25 = arith.constant 0 : i32
      %dma_start3A_26 = tpu.memref_slice %arg3[%add3A, %dma_start3A_24, %dma_start3A_25] : memref<32x101x128xi32, #tpu.memory_space<hbm>> -> memref<1x101x128xi32, #tpu.memory_space<hbm>>
      %dma_start3A_27 = tpu.memref_squeeze %dma_start3A_26 : memref<1x101x128xi32, #tpu.memory_space<hbm>> -> memref<101x128xi32, #tpu.memory_space<hbm>>
      tpu.enqueue_dma source(%dma_start3A_27 : memref<101x128xi32, #tpu.memory_space<hbm>>) target(%arg7 : memref<101x128xi32, #tpu.memory_space<vmem>>) target_semaphore(%run_scoped3A : memref<!tpu.dma_semaphore, #tpu.memory_space<semaphore_mem>>)
      %dma_wait3A = arith.constant 0 : i32
      %dma_wait3A_28 = arith.constant 0 : i32
      %dma_wait3A_29 = tpu.memref_slice %arg3[%add3A, %dma_wait3A, %dma_wait3A_28] : memref<32x101x128xi32, #tpu.memory_space<hbm>> -> memref<1x101x128xi32, #tpu.memory_space<hbm>>
      %dma_wait3A_30 = tpu.memref_squeeze %dma_wait3A_29 : memref<1x101x128xi32, #tpu.memory_space<hbm>> -> memref<101x128xi32, #tpu.memory_space<hbm>>
      %dma_wait3A_31 = arith.constant 0 : i32
      %dma_wait3A_32 = arith.constant 0 : i32
      %dma_wait3A_33 = tpu.memref_slice %arg3[%add3A, %dma_wait3A_31, %dma_wait3A_32] : memref<32x101x128xi32, #tpu.memory_space<hbm>> -> memref<1x101x128xi32, #tpu.memory_space<hbm>>
      %dma_wait3A_34 = tpu.memref_squeeze %dma_wait3A_33 : memref<1x101x128xi32, #tpu.memory_space<hbm>> -> memref<101x128xi32, #tpu.memory_space<hbm>>
      tpu.wait_dma2 semaphore(%run_scoped3A : memref<!tpu.dma_semaphore, #tpu.memory_space<semaphore_mem>>) src(%dma_wait3A_34 : memref<101x128xi32, #tpu.memory_space<hbm>>) dst(%arg7 : memref<101x128xi32, #tpu.memory_space<vmem>>)
      tpu.yield
    }) : () -> ()
    "tpu.region"() ({
      %run_scoped3A = tpu.sem_alloc : memref<!tpu.dma_semaphore, #tpu.memory_space<semaphore_mem>>
      %dma_start3A = arith.constant 0 : i32
      %dma_start3A_21 = arith.constant 0 : i32
      %dma_start3A_22 = tpu.memref_slice %arg4[%add3A, %dma_start3A, %dma_start3A_21] : memref<32x101x128xi32, #tpu.memory_space<hbm>> -> memref<1x101x128xi32, #tpu.memory_space<hbm>>
      %dma_start3A_23 = tpu.memref_squeeze %dma_start3A_22 : memref<1x101x128xi32, #tpu.memory_space<hbm>> -> memref<101x128xi32, #tpu.memory_space<hbm>>
      %dma_start3A_24 = arith.constant 0 : i32
      %dma_start3A_25 = arith.constant 0 : i32
      %dma_start3A_26 = tpu.memref_slice %arg4[%add3A, %dma_start3A_24, %dma_start3A_25] : memref<32x101x128xi32, #tpu.memory_space<hbm>> -> memref<1x101x128xi32, #tpu.memory_space<hbm>>
      %dma_start3A_27 = tpu.memref_squeeze %dma_start3A_26 : memref<1x101x128xi32, #tpu.memory_space<hbm>> -> memref<101x128xi32, #tpu.memory_space<hbm>>
      tpu.enqueue_dma source(%dma_start3A_27 : memref<101x128xi32, #tpu.memory_space<hbm>>) target(%arg8 : memref<101x128xi32, #tpu.memory_space<vmem>>) target_semaphore(%run_scoped3A : memref<!tpu.dma_semaphore, #tpu.memory_space<semaphore_mem>>)
      %dma_wait3A = arith.constant 0 : i32
      %dma_wait3A_28 = arith.constant 0 : i32
      %dma_wait3A_29 = tpu.memref_slice %arg4[%add3A, %dma_wait3A, %dma_wait3A_28] : memref<32x101x128xi32, #tpu.memory_space<hbm>> -> memref<1x101x128xi32, #tpu.memory_space<hbm>>
      %dma_wait3A_30 = tpu.memref_squeeze %dma_wait3A_29 : memref<1x101x128xi32, #tpu.memory_space<hbm>> -> memref<101x128xi32, #tpu.memory_space<hbm>>
      %dma_wait3A_31 = arith.constant 0 : i32
      %dma_wait3A_32 = arith.constant 0 : i32
      %dma_wait3A_33 = tpu.memref_slice %arg4[%add3A, %dma_wait3A_31, %dma_wait3A_32] : memref<32x101x128xi32, #tpu.memory_space<hbm>> -> memref<1x101x128xi32, #tpu.memory_space<hbm>>
      %dma_wait3A_34 = tpu.memref_squeeze %dma_wait3A_33 : memref<1x101x128xi32, #tpu.memory_space<hbm>> -> memref<101x128xi32, #tpu.memory_space<hbm>>
      tpu.wait_dma2 semaphore(%run_scoped3A : memref<!tpu.dma_semaphore, #tpu.memory_space<semaphore_mem>>) src(%dma_wait3A_34 : memref<101x128xi32, #tpu.memory_space<hbm>>) dst(%arg8 : memref<101x128xi32, #tpu.memory_space<vmem>>)
      tpu.yield
    }) : () -> ()
    %mul3A_3 = arith.constant 640 : i32
    %mul3A_4 = arith.muli %arg1, %mul3A_3 : i32
    %mul3A_5 = arith.constant 640 : i32
    %mul3A_6 = arith.muli %arg1, %mul3A_5 : i32
    "tpu.region"() ({
      %run_scoped3A = tpu.sem_alloc : memref<!tpu.dma_semaphore, #tpu.memory_space<semaphore_mem>>
      %dma_start3A = arith.constant 0 : i32
      %dma_start3A_21 = tpu.memref_slice %arg10[%mul3A_6, %dma_start3A] : memref<10240x64xf32, #tpu.memory_space<vmem_shared>> -> memref<640x64xf32, #tpu.memory_space<vmem_shared>>
      %dma_start3A_22 = arith.constant 0 : i32
      %dma_start3A_23 = tpu.memref_slice %arg5[%mul3A_4, %dma_start3A_22] : memref<10240x64xf32, #tpu.memory_space<hbm>> -> memref<640x64xf32, #tpu.memory_space<hbm>>
      tpu.enqueue_dma source(%dma_start3A_23 : memref<640x64xf32, #tpu.memory_space<hbm>>) target(%dma_start3A_21 : memref<640x64xf32, #tpu.memory_space<vmem_shared>>) target_semaphore(%run_scoped3A : memref<!tpu.dma_semaphore, #tpu.memory_space<semaphore_mem>>)
      %dma_wait3A = arith.constant 0 : i32
      %dma_wait3A_24 = tpu.memref_slice %arg10[%mul3A_6, %dma_wait3A] : memref<10240x64xf32, #tpu.memory_space<vmem_shared>> -> memref<640x64xf32, #tpu.memory_space<vmem_shared>>
      %dma_wait3A_25 = arith.constant 0 : i32
      %dma_wait3A_26 = tpu.memref_slice %arg5[%mul3A_4, %dma_wait3A_25] : memref<10240x64xf32, #tpu.memory_space<hbm>> -> memref<640x64xf32, #tpu.memory_space<hbm>>
      tpu.wait_dma2 semaphore(%run_scoped3A : memref<!tpu.dma_semaphore, #tpu.memory_space<semaphore_mem>>) src(%dma_wait3A_26 : memref<640x64xf32, #tpu.memory_space<hbm>>) dst(%dma_wait3A_24 : memref<640x64xf32, #tpu.memory_space<vmem_shared>>)
      tpu.yield
    }) : () -> ()
    %barrier3A = arith.constant 0 : index
    tpu.barrier barrier_id(%barrier3A)
    %while3A = arith.constant 0 : i32
    %while3A_7 = arith.constant 0 : i32
    %while3A_8 = arith.subi %select_n3A, %while3A_7 : i32
    %while3A_9 = arith.addi %while3A_7, %while3A_8 : i32
    %while3A_10 = arith.constant 1 : i32
    %while3A_11 = arith.divsi %while3A_8, %while3A_10 : i32
    %while3A_12 = arith.muli %while3A_11, %while3A_10 : i32
    %while3A_13 = arith.addi %while3A_7, %while3A_12 : i32
    %while3A_14 = arith.constant 1 : i32
    scf.for %while3A_21 = %while3A_7 to %while3A_13 step %while3A_14  : i32 {
      %dma_start3A = arith.constant 0 : i32
      %dma_start3A_22 = tpu.memref_slice %arg7[%while3A_21, %dma_start3A] : memref<101x128xi32, #tpu.memory_space<vmem>> -> memref<1x128xi32, #tpu.memory_space<vmem>>
      %dma_start3A_23 = tpu.memref_squeeze %dma_start3A_22 : memref<1x128xi32, #tpu.memory_space<vmem>> -> memref<128xi32, #tpu.memory_space<vmem>>
      %dma_start3A_24 = arith.constant 0 : i32
      %dma_start3A_25 = arith.constant 0 : i32
      %dma_start3A_26 = tpu.memref_slice %arg2[%dma_start3A_24, %dma_start3A_25] : memref<10240x64xf32, #tpu.memory_space<hbm>> -> memref<10240x64xf32, #tpu.memory_space<hbm>>
      tpu.enqueue_indirect_dma source(%dma_start3A_26 : memref<10240x64xf32, #tpu.memory_space<hbm>>) target(%arg9 : memref<128x64xf32, #tpu.memory_space<vmem>>) offsets(%dma_start3A_23 : memref<128xi32, #tpu.memory_space<vmem>>) semaphore(%arg11 : memref<!tpu.dma_semaphore, #tpu.memory_space<semaphore_mem>>)
      %dma_wait3A = arith.constant 0 : i32
      %dma_wait3A_27 = tpu.memref_slice %arg7[%while3A_21, %dma_wait3A] : memref<101x128xi32, #tpu.memory_space<vmem>> -> memref<1x128xi32, #tpu.memory_space<vmem>>
      %dma_wait3A_28 = tpu.memref_squeeze %dma_wait3A_27 : memref<1x128xi32, #tpu.memory_space<vmem>> -> memref<128xi32, #tpu.memory_space<vmem>>
      %dma_wait3A_29 = arith.constant 0 : i32
      %dma_wait3A_30 = arith.constant 0 : i32
      %dma_wait3A_31 = tpu.memref_slice %arg2[%dma_wait3A_29, %dma_wait3A_30] : memref<10240x64xf32, #tpu.memory_space<hbm>> -> memref<10240x64xf32, #tpu.memory_space<hbm>>
      tpu.wait_indirect_dma semaphore(%arg11 : memref<!tpu.dma_semaphore, #tpu.memory_space<semaphore_mem>>) src(%dma_wait3A_31 : memref<10240x64xf32, #tpu.memory_space<hbm>>) dst(%arg9 : memref<128x64xf32, #tpu.memory_space<vmem>>)
      "tpu.region"() ({
        %run_scoped3A = tpu.sem_alloc : memref<!tpu.dma_semaphore, #tpu.memory_space<semaphore_mem>>
        %dma_start3A_32 = arith.constant 0 : i32
        %dma_start3A_33 = tpu.memref_slice %arg8[%while3A_21, %dma_start3A_32] : memref<101x128xi32, #tpu.memory_space<vmem>> -> memref<1x128xi32, #tpu.memory_space<vmem>>
        %dma_start3A_34 = tpu.memref_squeeze %dma_start3A_33 : memref<1x128xi32, #tpu.memory_space<vmem>> -> memref<128xi32, #tpu.memory_space<vmem>>
        %dma_start3A_35 = arith.constant 0 : i32
        %dma_start3A_36 = arith.constant 0 : i32
        %dma_start3A_37 = tpu.memref_slice %arg10[%dma_start3A_35, %dma_start3A_36] : memref<10240x64xf32, #tpu.memory_space<vmem_shared>> -> memref<10240x64xf32, #tpu.memory_space<vmem_shared>>
        tpu.enqueue_indirect_dma source(%arg9 : memref<128x64xf32, #tpu.memory_space<vmem>>) target(%dma_start3A_37 : memref<10240x64xf32, #tpu.memory_space<vmem_shared>>) offsets(%dma_start3A_34 : memref<128xi32, #tpu.memory_space<vmem>>) semaphore(%run_scoped3A : memref<!tpu.dma_semaphore, #tpu.memory_space<semaphore_mem>>) {add = true}
        %dma_wait3A_38 = arith.constant 0 : i32
        %dma_wait3A_39 = tpu.memref_slice %arg8[%while3A_21, %dma_wait3A_38] : memref<101x128xi32, #tpu.memory_space<vmem>> -> memref<1x128xi32, #tpu.memory_space<vmem>>
        %dma_wait3A_40 = tpu.memref_squeeze %dma_wait3A_39 : memref<1x128xi32, #tpu.memory_space<vmem>> -> memref<128xi32, #tpu.memory_space<vmem>>
        %dma_wait3A_41 = arith.constant 0 : i32
        %dma_wait3A_42 = arith.constant 0 : i32
        %dma_wait3A_43 = tpu.memref_slice %arg10[%dma_wait3A_41, %dma_wait3A_42] : memref<10240x64xf32, #tpu.memory_space<vmem_shared>> -> memref<10240x64xf32, #tpu.memory_space<vmem_shared>>
        tpu.wait_indirect_dma semaphore(%run_scoped3A : memref<!tpu.dma_semaphore, #tpu.memory_space<semaphore_mem>>) src(%arg9 : memref<128x64xf32, #tpu.memory_space<vmem>>) dst(%dma_wait3A_43 : memref<10240x64xf32, #tpu.memory_space<vmem_shared>>)
        tpu.yield
      }) : () -> ()
    }
    %while3A_15 = arith.constant 1 : i32
    scf.for %while3A_21 = %while3A_13 to %while3A_9 step %while3A_15  : i32 {
      %dma_start3A = arith.constant 0 : i32
      %dma_start3A_22 = tpu.memref_slice %arg7[%while3A_21, %dma_start3A] : memref<101x128xi32, #tpu.memory_space<vmem>> -> memref<1x128xi32, #tpu.memory_space<vmem>>
      %dma_start3A_23 = tpu.memref_squeeze %dma_start3A_22 : memref<1x128xi32, #tpu.memory_space<vmem>> -> memref<128xi32, #tpu.memory_space<vmem>>
      %dma_start3A_24 = arith.constant 0 : i32
      %dma_start3A_25 = arith.constant 0 : i32
      %dma_start3A_26 = tpu.memref_slice %arg2[%dma_start3A_24, %dma_start3A_25] : memref<10240x64xf32, #tpu.memory_space<hbm>> -> memref<10240x64xf32, #tpu.memory_space<hbm>>
      tpu.enqueue_indirect_dma source(%dma_start3A_26 : memref<10240x64xf32, #tpu.memory_space<hbm>>) target(%arg9 : memref<128x64xf32, #tpu.memory_space<vmem>>) offsets(%dma_start3A_23 : memref<128xi32, #tpu.memory_space<vmem>>) semaphore(%arg11 : memref<!tpu.dma_semaphore, #tpu.memory_space<semaphore_mem>>)
      %dma_wait3A = arith.constant 0 : i32
      %dma_wait3A_27 = tpu.memref_slice %arg7[%while3A_21, %dma_wait3A] : memref<101x128xi32, #tpu.memory_space<vmem>> -> memref<1x128xi32, #tpu.memory_space<vmem>>
      %dma_wait3A_28 = tpu.memref_squeeze %dma_wait3A_27 : memref<1x128xi32, #tpu.memory_space<vmem>> -> memref<128xi32, #tpu.memory_space<vmem>>
      %dma_wait3A_29 = arith.constant 0 : i32
      %dma_wait3A_30 = arith.constant 0 : i32
      %dma_wait3A_31 = tpu.memref_slice %arg2[%dma_wait3A_29, %dma_wait3A_30] : memref<10240x64xf32, #tpu.memory_space<hbm>> -> memref<10240x64xf32, #tpu.memory_space<hbm>>
      tpu.wait_indirect_dma semaphore(%arg11 : memref<!tpu.dma_semaphore, #tpu.memory_space<semaphore_mem>>) src(%dma_wait3A_31 : memref<10240x64xf32, #tpu.memory_space<hbm>>) dst(%arg9 : memref<128x64xf32, #tpu.memory_space<vmem>>)
      "tpu.region"() ({
        %run_scoped3A = tpu.sem_alloc : memref<!tpu.dma_semaphore, #tpu.memory_space<semaphore_mem>>
        %dma_start3A_32 = arith.constant 0 : i32
        %dma_start3A_33 = tpu.memref_slice %arg8[%while3A_21, %dma_start3A_32] : memref<101x128xi32, #tpu.memory_space<vmem>> -> memref<1x128xi32, #tpu.memory_space<vmem>>
        %dma_start3A_34 = tpu.memref_squeeze %dma_start3A_33 : memref<1x128xi32, #tpu.memory_space<vmem>> -> memref<128xi32, #tpu.memory_space<vmem>>
        %dma_start3A_35 = arith.constant 0 : i32
        %dma_start3A_36 = arith.constant 0 : i32
        %dma_start3A_37 = tpu.memref_slice %arg10[%dma_start3A_35, %dma_start3A_36] : memref<10240x64xf32, #tpu.memory_space<vmem_shared>> -> memref<10240x64xf32, #tpu.memory_space<vmem_shared>>
        tpu.enqueue_indirect_dma source(%arg9 : memref<128x64xf32, #tpu.memory_space<vmem>>) target(%dma_start3A_37 : memref<10240x64xf32, #tpu.memory_space<vmem_shared>>) offsets(%dma_start3A_34 : memref<128xi32, #tpu.memory_space<vmem>>) semaphore(%run_scoped3A : memref<!tpu.dma_semaphore, #tpu.memory_space<semaphore_mem>>) {add = true}
        %dma_wait3A_38 = arith.constant 0 : i32
        %dma_wait3A_39 = tpu.memref_slice %arg8[%while3A_21, %dma_wait3A_38] : memref<101x128xi32, #tpu.memory_space<vmem>> -> memref<1x128xi32, #tpu.memory_space<vmem>>
        %dma_wait3A_40 = tpu.memref_squeeze %dma_wait3A_39 : memref<1x128xi32, #tpu.memory_space<vmem>> -> memref<128xi32, #tpu.memory_space<vmem>>
        %dma_wait3A_41 = arith.constant 0 : i32
        %dma_wait3A_42 = arith.constant 0 : i32
        %dma_wait3A_43 = tpu.memref_slice %arg10[%dma_wait3A_41, %dma_wait3A_42] : memref<10240x64xf32, #tpu.memory_space<vmem_shared>> -> memref<10240x64xf32, #tpu.memory_space<vmem_shared>>
        tpu.wait_indirect_dma semaphore(%run_scoped3A : memref<!tpu.dma_semaphore, #tpu.memory_space<semaphore_mem>>) src(%arg9 : memref<128x64xf32, #tpu.memory_space<vmem>>) dst(%dma_wait3A_43 : memref<10240x64xf32, #tpu.memory_space<vmem_shared>>)
        tpu.yield
      }) : () -> ()
    }
    %barrier3A_16 = arith.constant 0 : index
    tpu.barrier barrier_id(%barrier3A_16)
    %mul3A_17 = arith.constant 640 : i32
    %mul3A_18 = arith.muli %arg1, %mul3A_17 : i32
    %mul3A_19 = arith.constant 640 : i32
    %mul3A_20 = arith.muli %arg1, %mul3A_19 : i32
    "tpu.region"() ({
      %run_scoped3A = tpu.sem_alloc : memref<!tpu.dma_semaphore, #tpu.memory_space<semaphore_mem>>
      %dma_start3A = arith.constant 0 : i32
      %dma_start3A_21 = tpu.memref_slice %arg6[%arg0, %mul3A_20, %dma_start3A] : memref<2x10240x64xf32, #tpu.memory_space<hbm>> -> memref<1x640x64xf32, #tpu.memory_space<hbm>>
      %dma_start3A_22 = tpu.memref_squeeze %dma_start3A_21 : memref<1x640x64xf32, #tpu.memory_space<hbm>> -> memref<640x64xf32, #tpu.memory_space<hbm>>
      %dma_start3A_23 = arith.constant 0 : i32
      %dma_start3A_24 = tpu.memref_slice %arg10[%mul3A_18, %dma_start3A_23] : memref<10240x64xf32, #tpu.memory_space<vmem_shared>> -> memref<640x64xf32, #tpu.memory_space<vmem_shared>>
      tpu.enqueue_dma source(%dma_start3A_24 : memref<640x64xf32, #tpu.memory_space<vmem_shared>>) target(%dma_start3A_22 : memref<640x64xf32, #tpu.memory_space<hbm>>) target_semaphore(%run_scoped3A : memref<!tpu.dma_semaphore, #tpu.memory_space<semaphore_mem>>)
      %dma_wait3A = arith.constant 0 : i32
      %dma_wait3A_25 = tpu.memref_slice %arg6[%arg0, %mul3A_20, %dma_wait3A] : memref<2x10240x64xf32, #tpu.memory_space<hbm>> -> memref<1x640x64xf32, #tpu.memory_space<hbm>>
      %dma_wait3A_26 = tpu.memref_squeeze %dma_wait3A_25 : memref<1x640x64xf32, #tpu.memory_space<hbm>> -> memref<640x64xf32, #tpu.memory_space<hbm>>
      %dma_wait3A_27 = arith.constant 0 : i32
      %dma_wait3A_28 = tpu.memref_slice %arg10[%mul3A_18, %dma_wait3A_27] : memref<10240x64xf32, #tpu.memory_space<vmem_shared>> -> memref<640x64xf32, #tpu.memory_space<vmem_shared>>
      tpu.wait_dma2 semaphore(%run_scoped3A : memref<!tpu.dma_semaphore, #tpu.memory_space<semaphore_mem>>) src(%dma_wait3A_28 : memref<640x64xf32, #tpu.memory_space<vmem_shared>>) dst(%dma_wait3A_26 : memref<640x64xf32, #tpu.memory_space<hbm>>)
      tpu.yield
    }) : () -> ()
    return
  }
}

#map = affine_map<(d0, d1) -> (0, 0)>
#map1 = affine_map<(d0, d1) -> (0, 0, 0)>
module attributes {stable_mosaic.version = 14 : i64} {
  func.func @agg(%arg0: i32, %arg1: i32, %arg2: memref<10240x128xf32, #tpu.memory_space<hbm>>, %arg3: memref<32x101x128xi32, #tpu.memory_space<hbm>>, %arg4: memref<32x101x128xi32, #tpu.memory_space<hbm>>, %arg5: memref<10240x128xf32, #tpu.memory_space<hbm>>, %arg6: memref<2x10240x128xf32, #tpu.memory_space<hbm>>, %arg7: memref<101x128xi32, #tpu.memory_space<vmem>>, %arg8: memref<101x128xi32, #tpu.memory_space<vmem>>, %arg9: memref<128x128xf32, #tpu.memory_space<vmem>>, %arg10: memref<10240x128xf32, #tpu.memory_space<vmem_shared>>, %arg11: memref<!tpu.dma_semaphore, #tpu.memory_space<semaphore_mem>>) attributes {dimension_semantics = [#tpu.dimension_semantics<core_parallel>, #tpu.dimension_semantics<subcore_parallel>], iteration_bounds = array<i64: 2, 16>, scalar_prefetch = 0 : i64, scratch_operands = 5 : i64, tpu.core_type = #tpu.core_type<sc_vector_subcore>, window_params = [{transform_indices = #map}, {transform_indices = #map1}, {transform_indices = #map1}, {transform_indices = #map}, {transform_indices = #map1}]} {
    %mul3A = arith.constant 16 : i32
    %mul3A_0 = arith.muli %arg0, %mul3A : i32
    %add3A = arith.addi %mul3A_0, %arg1 : i32
    %eq3A = arith.constant 0 : i32
    %eq3A_1 = arith.cmpi eq, %arg0, %eq3A : i32
    %jit3A = arith.constant 56 : i32
    %jit3A_2 = arith.constant 101 : i32
    %select_n3A = arith.select %eq3A_1, %jit3A, %jit3A_2 : i32
    "tpu.region"() ({
      %run_scoped3A = tpu.sem_alloc : memref<!tpu.dma_semaphore, #tpu.memory_space<semaphore_mem>>
      %dma_start3A = arith.constant 0 : i32
      %dma_start3A_21 = arith.constant 0 : i32
      %dma_start3A_22 = tpu.memref_slice %arg3[%add3A, %dma_start3A, %dma_start3A_21] : memref<32x101x128xi32, #tpu.memory_space<hbm>> -> memref<1x101x128xi32, #tpu.memory_space<hbm>>
      %dma_start3A_23 = tpu.memref_squeeze %dma_start3A_22 : memref<1x101x128xi32, #tpu.memory_space<hbm>> -> memref<101x128xi32, #tpu.memory_space<hbm>>
      %dma_start3A_24 = arith.constant 0 : i32
      %dma_start3A_25 = arith.constant 0 : i32
      %dma_start3A_26 = tpu.memref_slice %arg3[%add3A, %dma_start3A_24, %dma_start3A_25] : memref<32x101x128xi32, #tpu.memory_space<hbm>> -> memref<1x101x128xi32, #tpu.memory_space<hbm>>
      %dma_start3A_27 = tpu.memref_squeeze %dma_start3A_26 : memref<1x101x128xi32, #tpu.memory_space<hbm>> -> memref<101x128xi32, #tpu.memory_space<hbm>>
      tpu.enqueue_dma source(%dma_start3A_27 : memref<101x128xi32, #tpu.memory_space<hbm>>) target(%arg7 : memref<101x128xi32, #tpu.memory_space<vmem>>) target_semaphore(%run_scoped3A : memref<!tpu.dma_semaphore, #tpu.memory_space<semaphore_mem>>)
      %dma_wait3A = arith.constant 0 : i32
      %dma_wait3A_28 = arith.constant 0 : i32
      %dma_wait3A_29 = tpu.memref_slice %arg3[%add3A, %dma_wait3A, %dma_wait3A_28] : memref<32x101x128xi32, #tpu.memory_space<hbm>> -> memref<1x101x128xi32, #tpu.memory_space<hbm>>
      %dma_wait3A_30 = tpu.memref_squeeze %dma_wait3A_29 : memref<1x101x128xi32, #tpu.memory_space<hbm>> -> memref<101x128xi32, #tpu.memory_space<hbm>>
      %dma_wait3A_31 = arith.constant 0 : i32
      %dma_wait3A_32 = arith.constant 0 : i32
      %dma_wait3A_33 = tpu.memref_slice %arg3[%add3A, %dma_wait3A_31, %dma_wait3A_32] : memref<32x101x128xi32, #tpu.memory_space<hbm>> -> memref<1x101x128xi32, #tpu.memory_space<hbm>>
      %dma_wait3A_34 = tpu.memref_squeeze %dma_wait3A_33 : memref<1x101x128xi32, #tpu.memory_space<hbm>> -> memref<101x128xi32, #tpu.memory_space<hbm>>
      tpu.wait_dma2 semaphore(%run_scoped3A : memref<!tpu.dma_semaphore, #tpu.memory_space<semaphore_mem>>) src(%dma_wait3A_34 : memref<101x128xi32, #tpu.memory_space<hbm>>) dst(%arg7 : memref<101x128xi32, #tpu.memory_space<vmem>>)
      tpu.yield
    }) : () -> ()
    "tpu.region"() ({
      %run_scoped3A = tpu.sem_alloc : memref<!tpu.dma_semaphore, #tpu.memory_space<semaphore_mem>>
      %dma_start3A = arith.constant 0 : i32
      %dma_start3A_21 = arith.constant 0 : i32
      %dma_start3A_22 = tpu.memref_slice %arg4[%add3A, %dma_start3A, %dma_start3A_21] : memref<32x101x128xi32, #tpu.memory_space<hbm>> -> memref<1x101x128xi32, #tpu.memory_space<hbm>>
      %dma_start3A_23 = tpu.memref_squeeze %dma_start3A_22 : memref<1x101x128xi32, #tpu.memory_space<hbm>> -> memref<101x128xi32, #tpu.memory_space<hbm>>
      %dma_start3A_24 = arith.constant 0 : i32
      %dma_start3A_25 = arith.constant 0 : i32
      %dma_start3A_26 = tpu.memref_slice %arg4[%add3A, %dma_start3A_24, %dma_start3A_25] : memref<32x101x128xi32, #tpu.memory_space<hbm>> -> memref<1x101x128xi32, #tpu.memory_space<hbm>>
      %dma_start3A_27 = tpu.memref_squeeze %dma_start3A_26 : memref<1x101x128xi32, #tpu.memory_space<hbm>> -> memref<101x128xi32, #tpu.memory_space<hbm>>
      tpu.enqueue_dma source(%dma_start3A_27 : memref<101x128xi32, #tpu.memory_space<hbm>>) target(%arg8 : memref<101x128xi32, #tpu.memory_space<vmem>>) target_semaphore(%run_scoped3A : memref<!tpu.dma_semaphore, #tpu.memory_space<semaphore_mem>>)
      %dma_wait3A = arith.constant 0 : i32
      %dma_wait3A_28 = arith.constant 0 : i32
      %dma_wait3A_29 = tpu.memref_slice %arg4[%add3A, %dma_wait3A, %dma_wait3A_28] : memref<32x101x128xi32, #tpu.memory_space<hbm>> -> memref<1x101x128xi32, #tpu.memory_space<hbm>>
      %dma_wait3A_30 = tpu.memref_squeeze %dma_wait3A_29 : memref<1x101x128xi32, #tpu.memory_space<hbm>> -> memref<101x128xi32, #tpu.memory_space<hbm>>
      %dma_wait3A_31 = arith.constant 0 : i32
      %dma_wait3A_32 = arith.constant 0 : i32
      %dma_wait3A_33 = tpu.memref_slice %arg4[%add3A, %dma_wait3A_31, %dma_wait3A_32] : memref<32x101x128xi32, #tpu.memory_space<hbm>> -> memref<1x101x128xi32, #tpu.memory_space<hbm>>
      %dma_wait3A_34 = tpu.memref_squeeze %dma_wait3A_33 : memref<1x101x128xi32, #tpu.memory_space<hbm>> -> memref<101x128xi32, #tpu.memory_space<hbm>>
      tpu.wait_dma2 semaphore(%run_scoped3A : memref<!tpu.dma_semaphore, #tpu.memory_space<semaphore_mem>>) src(%dma_wait3A_34 : memref<101x128xi32, #tpu.memory_space<hbm>>) dst(%arg8 : memref<101x128xi32, #tpu.memory_space<vmem>>)
      tpu.yield
    }) : () -> ()
    %mul3A_3 = arith.constant 640 : i32
    %mul3A_4 = arith.muli %arg1, %mul3A_3 : i32
    %mul3A_5 = arith.constant 640 : i32
    %mul3A_6 = arith.muli %arg1, %mul3A_5 : i32
    "tpu.region"() ({
      %run_scoped3A = tpu.sem_alloc : memref<!tpu.dma_semaphore, #tpu.memory_space<semaphore_mem>>
      %dma_start3A = arith.constant 0 : i32
      %dma_start3A_21 = tpu.memref_slice %arg10[%mul3A_6, %dma_start3A] : memref<10240x128xf32, #tpu.memory_space<vmem_shared>> -> memref<640x128xf32, #tpu.memory_space<vmem_shared>>
      %dma_start3A_22 = arith.constant 0 : i32
      %dma_start3A_23 = tpu.memref_slice %arg5[%mul3A_4, %dma_start3A_22] : memref<10240x128xf32, #tpu.memory_space<hbm>> -> memref<640x128xf32, #tpu.memory_space<hbm>>
      tpu.enqueue_dma source(%dma_start3A_23 : memref<640x128xf32, #tpu.memory_space<hbm>>) target(%dma_start3A_21 : memref<640x128xf32, #tpu.memory_space<vmem_shared>>) target_semaphore(%run_scoped3A : memref<!tpu.dma_semaphore, #tpu.memory_space<semaphore_mem>>)
      %dma_wait3A = arith.constant 0 : i32
      %dma_wait3A_24 = tpu.memref_slice %arg10[%mul3A_6, %dma_wait3A] : memref<10240x128xf32, #tpu.memory_space<vmem_shared>> -> memref<640x128xf32, #tpu.memory_space<vmem_shared>>
      %dma_wait3A_25 = arith.constant 0 : i32
      %dma_wait3A_26 = tpu.memref_slice %arg5[%mul3A_4, %dma_wait3A_25] : memref<10240x128xf32, #tpu.memory_space<hbm>> -> memref<640x128xf32, #tpu.memory_space<hbm>>
      tpu.wait_dma2 semaphore(%run_scoped3A : memref<!tpu.dma_semaphore, #tpu.memory_space<semaphore_mem>>) src(%dma_wait3A_26 : memref<640x128xf32, #tpu.memory_space<hbm>>) dst(%dma_wait3A_24 : memref<640x128xf32, #tpu.memory_space<vmem_shared>>)
      tpu.yield
    }) : () -> ()
    %barrier3A = arith.constant 0 : index
    tpu.barrier barrier_id(%barrier3A)
    %while3A = arith.constant 0 : i32
    %while3A_7 = arith.constant 0 : i32
    %while3A_8 = arith.subi %select_n3A, %while3A_7 : i32
    %while3A_9 = arith.addi %while3A_7, %while3A_8 : i32
    %while3A_10 = arith.constant 1 : i32
    %while3A_11 = arith.divsi %while3A_8, %while3A_10 : i32
    %while3A_12 = arith.muli %while3A_11, %while3A_10 : i32
    %while3A_13 = arith.addi %while3A_7, %while3A_12 : i32
    %while3A_14 = arith.constant 1 : i32
    scf.for %while3A_21 = %while3A_7 to %while3A_13 step %while3A_14  : i32 {
      %dma_start3A = arith.constant 0 : i32
      %dma_start3A_22 = tpu.memref_slice %arg7[%while3A_21, %dma_start3A] : memref<101x128xi32, #tpu.memory_space<vmem>> -> memref<1x128xi32, #tpu.memory_space<vmem>>
      %dma_start3A_23 = tpu.memref_squeeze %dma_start3A_22 : memref<1x128xi32, #tpu.memory_space<vmem>> -> memref<128xi32, #tpu.memory_space<vmem>>
      %dma_start3A_24 = arith.constant 0 : i32
      %dma_start3A_25 = arith.constant 0 : i32
      %dma_start3A_26 = tpu.memref_slice %arg2[%dma_start3A_24, %dma_start3A_25] : memref<10240x128xf32, #tpu.memory_space<hbm>> -> memref<10240x128xf32, #tpu.memory_space<hbm>>
      tpu.enqueue_indirect_dma source(%dma_start3A_26 : memref<10240x128xf32, #tpu.memory_space<hbm>>) target(%arg9 : memref<128x128xf32, #tpu.memory_space<vmem>>) offsets(%dma_start3A_23 : memref<128xi32, #tpu.memory_space<vmem>>) semaphore(%arg11 : memref<!tpu.dma_semaphore, #tpu.memory_space<semaphore_mem>>)
      %dma_wait3A = arith.constant 0 : i32
      %dma_wait3A_27 = tpu.memref_slice %arg7[%while3A_21, %dma_wait3A] : memref<101x128xi32, #tpu.memory_space<vmem>> -> memref<1x128xi32, #tpu.memory_space<vmem>>
      %dma_wait3A_28 = tpu.memref_squeeze %dma_wait3A_27 : memref<1x128xi32, #tpu.memory_space<vmem>> -> memref<128xi32, #tpu.memory_space<vmem>>
      %dma_wait3A_29 = arith.constant 0 : i32
      %dma_wait3A_30 = arith.constant 0 : i32
      %dma_wait3A_31 = tpu.memref_slice %arg2[%dma_wait3A_29, %dma_wait3A_30] : memref<10240x128xf32, #tpu.memory_space<hbm>> -> memref<10240x128xf32, #tpu.memory_space<hbm>>
      tpu.wait_indirect_dma semaphore(%arg11 : memref<!tpu.dma_semaphore, #tpu.memory_space<semaphore_mem>>) src(%dma_wait3A_31 : memref<10240x128xf32, #tpu.memory_space<hbm>>) dst(%arg9 : memref<128x128xf32, #tpu.memory_space<vmem>>)
      "tpu.region"() ({
        %run_scoped3A = tpu.sem_alloc : memref<!tpu.dma_semaphore, #tpu.memory_space<semaphore_mem>>
        %dma_start3A_32 = arith.constant 0 : i32
        %dma_start3A_33 = tpu.memref_slice %arg8[%while3A_21, %dma_start3A_32] : memref<101x128xi32, #tpu.memory_space<vmem>> -> memref<1x128xi32, #tpu.memory_space<vmem>>
        %dma_start3A_34 = tpu.memref_squeeze %dma_start3A_33 : memref<1x128xi32, #tpu.memory_space<vmem>> -> memref<128xi32, #tpu.memory_space<vmem>>
        %dma_start3A_35 = arith.constant 0 : i32
        %dma_start3A_36 = arith.constant 0 : i32
        %dma_start3A_37 = tpu.memref_slice %arg10[%dma_start3A_35, %dma_start3A_36] : memref<10240x128xf32, #tpu.memory_space<vmem_shared>> -> memref<10240x128xf32, #tpu.memory_space<vmem_shared>>
        tpu.enqueue_indirect_dma source(%arg9 : memref<128x128xf32, #tpu.memory_space<vmem>>) target(%dma_start3A_37 : memref<10240x128xf32, #tpu.memory_space<vmem_shared>>) offsets(%dma_start3A_34 : memref<128xi32, #tpu.memory_space<vmem>>) semaphore(%run_scoped3A : memref<!tpu.dma_semaphore, #tpu.memory_space<semaphore_mem>>) {add = true}
        %dma_wait3A_38 = arith.constant 0 : i32
        %dma_wait3A_39 = tpu.memref_slice %arg8[%while3A_21, %dma_wait3A_38] : memref<101x128xi32, #tpu.memory_space<vmem>> -> memref<1x128xi32, #tpu.memory_space<vmem>>
        %dma_wait3A_40 = tpu.memref_squeeze %dma_wait3A_39 : memref<1x128xi32, #tpu.memory_space<vmem>> -> memref<128xi32, #tpu.memory_space<vmem>>
        %dma_wait3A_41 = arith.constant 0 : i32
        %dma_wait3A_42 = arith.constant 0 : i32
        %dma_wait3A_43 = tpu.memref_slice %arg10[%dma_wait3A_41, %dma_wait3A_42] : memref<10240x128xf32, #tpu.memory_space<vmem_shared>> -> memref<10240x128xf32, #tpu.memory_space<vmem_shared>>
        tpu.wait_indirect_dma semaphore(%run_scoped3A : memref<!tpu.dma_semaphore, #tpu.memory_space<semaphore_mem>>) src(%arg9 : memref<128x128xf32, #tpu.memory_space<vmem>>) dst(%dma_wait3A_43 : memref<10240x128xf32, #tpu.memory_space<vmem_shared>>)
        tpu.yield
      }) : () -> ()
    }
    %while3A_15 = arith.constant 1 : i32
    scf.for %while3A_21 = %while3A_13 to %while3A_9 step %while3A_15  : i32 {
      %dma_start3A = arith.constant 0 : i32
      %dma_start3A_22 = tpu.memref_slice %arg7[%while3A_21, %dma_start3A] : memref<101x128xi32, #tpu.memory_space<vmem>> -> memref<1x128xi32, #tpu.memory_space<vmem>>
      %dma_start3A_23 = tpu.memref_squeeze %dma_start3A_22 : memref<1x128xi32, #tpu.memory_space<vmem>> -> memref<128xi32, #tpu.memory_space<vmem>>
      %dma_start3A_24 = arith.constant 0 : i32
      %dma_start3A_25 = arith.constant 0 : i32
      %dma_start3A_26 = tpu.memref_slice %arg2[%dma_start3A_24, %dma_start3A_25] : memref<10240x128xf32, #tpu.memory_space<hbm>> -> memref<10240x128xf32, #tpu.memory_space<hbm>>
      tpu.enqueue_indirect_dma source(%dma_start3A_26 : memref<10240x128xf32, #tpu.memory_space<hbm>>) target(%arg9 : memref<128x128xf32, #tpu.memory_space<vmem>>) offsets(%dma_start3A_23 : memref<128xi32, #tpu.memory_space<vmem>>) semaphore(%arg11 : memref<!tpu.dma_semaphore, #tpu.memory_space<semaphore_mem>>)
      %dma_wait3A = arith.constant 0 : i32
      %dma_wait3A_27 = tpu.memref_slice %arg7[%while3A_21, %dma_wait3A] : memref<101x128xi32, #tpu.memory_space<vmem>> -> memref<1x128xi32, #tpu.memory_space<vmem>>
      %dma_wait3A_28 = tpu.memref_squeeze %dma_wait3A_27 : memref<1x128xi32, #tpu.memory_space<vmem>> -> memref<128xi32, #tpu.memory_space<vmem>>
      %dma_wait3A_29 = arith.constant 0 : i32
      %dma_wait3A_30 = arith.constant 0 : i32
      %dma_wait3A_31 = tpu.memref_slice %arg2[%dma_wait3A_29, %dma_wait3A_30] : memref<10240x128xf32, #tpu.memory_space<hbm>> -> memref<10240x128xf32, #tpu.memory_space<hbm>>
      tpu.wait_indirect_dma semaphore(%arg11 : memref<!tpu.dma_semaphore, #tpu.memory_space<semaphore_mem>>) src(%dma_wait3A_31 : memref<10240x128xf32, #tpu.memory_space<hbm>>) dst(%arg9 : memref<128x128xf32, #tpu.memory_space<vmem>>)
      "tpu.region"() ({
        %run_scoped3A = tpu.sem_alloc : memref<!tpu.dma_semaphore, #tpu.memory_space<semaphore_mem>>
        %dma_start3A_32 = arith.constant 0 : i32
        %dma_start3A_33 = tpu.memref_slice %arg8[%while3A_21, %dma_start3A_32] : memref<101x128xi32, #tpu.memory_space<vmem>> -> memref<1x128xi32, #tpu.memory_space<vmem>>
        %dma_start3A_34 = tpu.memref_squeeze %dma_start3A_33 : memref<1x128xi32, #tpu.memory_space<vmem>> -> memref<128xi32, #tpu.memory_space<vmem>>
        %dma_start3A_35 = arith.constant 0 : i32
        %dma_start3A_36 = arith.constant 0 : i32
        %dma_start3A_37 = tpu.memref_slice %arg10[%dma_start3A_35, %dma_start3A_36] : memref<10240x128xf32, #tpu.memory_space<vmem_shared>> -> memref<10240x128xf32, #tpu.memory_space<vmem_shared>>
        tpu.enqueue_indirect_dma source(%arg9 : memref<128x128xf32, #tpu.memory_space<vmem>>) target(%dma_start3A_37 : memref<10240x128xf32, #tpu.memory_space<vmem_shared>>) offsets(%dma_start3A_34 : memref<128xi32, #tpu.memory_space<vmem>>) semaphore(%run_scoped3A : memref<!tpu.dma_semaphore, #tpu.memory_space<semaphore_mem>>) {add = true}
        %dma_wait3A_38 = arith.constant 0 : i32
        %dma_wait3A_39 = tpu.memref_slice %arg8[%while3A_21, %dma_wait3A_38] : memref<101x128xi32, #tpu.memory_space<vmem>> -> memref<1x128xi32, #tpu.memory_space<vmem>>
        %dma_wait3A_40 = tpu.memref_squeeze %dma_wait3A_39 : memref<1x128xi32, #tpu.memory_space<vmem>> -> memref<128xi32, #tpu.memory_space<vmem>>
        %dma_wait3A_41 = arith.constant 0 : i32
        %dma_wait3A_42 = arith.constant 0 : i32
        %dma_wait3A_43 = tpu.memref_slice %arg10[%dma_wait3A_41, %dma_wait3A_42] : memref<10240x128xf32, #tpu.memory_space<vmem_shared>> -> memref<10240x128xf32, #tpu.memory_space<vmem_shared>>
        tpu.wait_indirect_dma semaphore(%run_scoped3A : memref<!tpu.dma_semaphore, #tpu.memory_space<semaphore_mem>>) src(%arg9 : memref<128x128xf32, #tpu.memory_space<vmem>>) dst(%dma_wait3A_43 : memref<10240x128xf32, #tpu.memory_space<vmem_shared>>)
        tpu.yield
      }) : () -> ()
    }
    %barrier3A_16 = arith.constant 0 : index
    tpu.barrier barrier_id(%barrier3A_16)
    %mul3A_17 = arith.constant 640 : i32
    %mul3A_18 = arith.muli %arg1, %mul3A_17 : i32
    %mul3A_19 = arith.constant 640 : i32
    %mul3A_20 = arith.muli %arg1, %mul3A_19 : i32
    "tpu.region"() ({
      %run_scoped3A = tpu.sem_alloc : memref<!tpu.dma_semaphore, #tpu.memory_space<semaphore_mem>>
      %dma_start3A = arith.constant 0 : i32
      %dma_start3A_21 = tpu.memref_slice %arg6[%arg0, %mul3A_20, %dma_start3A] : memref<2x10240x128xf32, #tpu.memory_space<hbm>> -> memref<1x640x128xf32, #tpu.memory_space<hbm>>
      %dma_start3A_22 = tpu.memref_squeeze %dma_start3A_21 : memref<1x640x128xf32, #tpu.memory_space<hbm>> -> memref<640x128xf32, #tpu.memory_space<hbm>>
      %dma_start3A_23 = arith.constant 0 : i32
      %dma_start3A_24 = tpu.memref_slice %arg10[%mul3A_18, %dma_start3A_23] : memref<10240x128xf32, #tpu.memory_space<vmem_shared>> -> memref<640x128xf32, #tpu.memory_space<vmem_shared>>
      tpu.enqueue_dma source(%dma_start3A_24 : memref<640x128xf32, #tpu.memory_space<vmem_shared>>) target(%dma_start3A_22 : memref<640x128xf32, #tpu.memory_space<hbm>>) target_semaphore(%run_scoped3A : memref<!tpu.dma_semaphore, #tpu.memory_space<semaphore_mem>>)
      %dma_wait3A = arith.constant 0 : i32
      %dma_wait3A_25 = tpu.memref_slice %arg6[%arg0, %mul3A_20, %dma_wait3A] : memref<2x10240x128xf32, #tpu.memory_space<hbm>> -> memref<1x640x128xf32, #tpu.memory_space<hbm>>
      %dma_wait3A_26 = tpu.memref_squeeze %dma_wait3A_25 : memref<1x640x128xf32, #tpu.memory_space<hbm>> -> memref<640x128xf32, #tpu.memory_space<hbm>>
      %dma_wait3A_27 = arith.constant 0 : i32
      %dma_wait3A_28 = tpu.memref_slice %arg10[%mul3A_18, %dma_wait3A_27] : memref<10240x128xf32, #tpu.memory_space<vmem_shared>> -> memref<640x128xf32, #tpu.memory_space<vmem_shared>>
      tpu.wait_dma2 semaphore(%run_scoped3A : memref<!tpu.dma_semaphore, #tpu.memory_space<semaphore_mem>>) src(%dma_wait3A_28 : memref<640x128xf32, #tpu.memory_space<vmem_shared>>) dst(%dma_wait3A_26 : memref<640x128xf32, #tpu.memory_space<hbm>>)
      tpu.yield
    }) : () -> ()
    return
  }
}

module attributes {stable_mosaic.version = 14 : i64} {
  func.func @_tc1_body(%arg0: i32, %arg1: memref<1024x128xf32, #tpu.memory_space<vmem>>, %arg2: memref<128x128xf32, #tpu.memory_space<vmem>>, %arg3: memref<2x1024x16xf32, #tpu.memory_space<vmem>>, %arg4: memref<1024x128xf32, #tpu.memory_space<vmem>>) attributes {dimension_semantics = [#tpu.dimension_semantics<arbitrary>], iteration_bounds = array<i64: 10>, scalar_prefetch = 0 : i64, scratch_operands = 0 : i64, tpu.core_type = #tpu.core_type<tc>, window_params = [{transform_indices = @transform_0, window_bounds = array<i64: 1024, 128>}, {pipeline_mode = #tpu.pipeline_mode<synchronous>, transform_indices = @transform_1, window_bounds = array<i64: 128, 128>}, {transform_indices = @transform_2, window_bounds = array<i64: 2, 1024, 16>}, {transform_indices = @transform_3, window_bounds = array<i64: 1024, 128>}]} {
    %get3A = arith.constant 0 : index
    %get3A_0 = arith.constant 0 : index
    %get3A_1 = arith.constant 0 : index
    %get3A_2 = vector.load %arg3[%get3A, %get3A_0, %get3A_1] : memref<2x1024x16xf32, #tpu.memory_space<vmem>>, vector<1x1024x1xf32>
    %get3A_3 = vector.shape_cast %get3A_2 : vector<1x1024x1xf32> to vector<1024x1xf32>
    %add3A = arith.constant 1.000000e+00 : f32
    %add3A_4 = vector.broadcast %add3A : f32 to vector<1024x1xf32>
    %add3A_5 = arith.addf %add3A_4, %get3A_3 : vector<1024x1xf32>
    %get3A_6 = arith.constant 1 : index
    %get3A_7 = arith.constant 0 : index
    %get3A_8 = arith.constant 0 : index
    %get3A_9 = vector.load %arg3[%get3A_6, %get3A_7, %get3A_8] : memref<2x1024x16xf32, #tpu.memory_space<vmem>>, vector<1x1024x1xf32>
    %get3A_10 = vector.shape_cast %get3A_9 : vector<1x1024x1xf32> to vector<1024x1xf32>
    %add3A_11 = arith.addf %add3A_5, %get3A_10 : vector<1024x1xf32>
    %rsqrt3A = math.rsqrt %add3A_11 : vector<1024x1xf32>
    %get3A_12 = arith.constant 0 : index
    %get3A_13 = arith.constant 0 : index
    %get3A_14 = vector.load %arg1[%get3A_12, %get3A_13] : memref<1024x128xf32, #tpu.memory_space<vmem>>, vector<1024x128xf32>
    %get3A_15 = arith.constant 0 : index
    %get3A_16 = arith.constant 0 : index
    %get3A_17 = vector.load %arg2[%get3A_15, %get3A_16] : memref<128x128xf32, #tpu.memory_space<vmem>>, vector<128x128xf32>
    %dot_general3A = arith.constant dense<0.000000e+00> : vector<1024x128xf32>
    %dot_general3A_18 = tpu.matmul %get3A_14, %get3A_17, %dot_general3A {dimension_numbers = #tpu.dot_dimension_numbers<[1], [0], [0], [1], [0, 0, 1, 1], [], []>, transpose_lhs_hint = false} : vector<1024x128xf32>, vector<128x128xf32>, vector<1024x128xf32> -> vector<1024x128xf32>
    %mul3A = vector.broadcast %rsqrt3A : vector<1024x1xf32> to vector<1024x128xf32>
    %mul3A_19 = arith.mulf %dot_general3A_18, %mul3A : vector<1024x128xf32>
    %swap3A = arith.constant 0 : index
    %swap3A_20 = arith.constant 0 : index
    %swap3A_21 = vector.load %arg4[%swap3A, %swap3A_20] : memref<1024x128xf32, #tpu.memory_space<vmem>>, vector<1024x128xf32>
    tpu.vector_store %arg4[%swap3A, %swap3A_20], %mul3A_19 {strides = array<i32>} : memref<1024x128xf32, #tpu.memory_space<vmem>>, vector<1024x128xf32>,
    return
  }
  func.func @transform_0(%arg0: i32) -> (i32, i32) {
    %c0_i32 = arith.constant 0 : i32
    %c0_i32_0 = arith.constant 0 : i32
    return %arg0, %c0_i32 : i32, i32
  }
  func.func @transform_1(%arg0: i32) -> (i32, i32) {
    %c0_i32 = arith.constant 0 : i32
    %c0_i32_0 = arith.constant 0 : i32
    %c0_i32_1 = arith.constant 0 : i32
    return %c0_i32, %c0_i32_0 : i32, i32
  }
  func.func @transform_2(%arg0: i32) -> (i32, i32, i32) {
    %c0_i32 = arith.constant 0 : i32
    %c0_i32_0 = arith.constant 0 : i32
    %c0_i32_1 = arith.constant 0 : i32
    return %c0_i32, %arg0, %c0_i32_0 : i32, i32, i32
  }
  func.func @transform_3(%arg0: i32) -> (i32, i32) {
    %c0_i32 = arith.constant 0 : i32
    %c0_i32_0 = arith.constant 0 : i32
    return %arg0, %c0_i32 : i32, i32
  }
}

module attributes {stable_mosaic.version = 14 : i64} {
  func.func @_tc2_body(%arg0: i32, %arg1: memref<2x1024x128xf32, #tpu.memory_space<vmem>>, %arg2: memref<1024x128xf32, #tpu.memory_space<vmem>>, %arg3: memref<2x1024x16xf32, #tpu.memory_space<vmem>>, %arg4: memref<1x128xf32, #tpu.memory_space<vmem>>, %arg5: memref<128x64xf32, #tpu.memory_space<vmem>>, %arg6: memref<1024x64xf32, #tpu.memory_space<vmem>>) attributes {dimension_semantics = [#tpu.dimension_semantics<arbitrary>], iteration_bounds = array<i64: 10>, scalar_prefetch = 0 : i64, scratch_operands = 0 : i64, tpu.core_type = #tpu.core_type<tc>, window_params = [{transform_indices = @transform_0, window_bounds = array<i64: 2, 1024, 128>}, {transform_indices = @transform_1, window_bounds = array<i64: 1024, 128>}, {transform_indices = @transform_2, window_bounds = array<i64: 2, 1024, 16>}, {pipeline_mode = #tpu.pipeline_mode<synchronous>, transform_indices = @transform_3, window_bounds = array<i64: 1, 128>}, {pipeline_mode = #tpu.pipeline_mode<synchronous>, transform_indices = @transform_4, window_bounds = array<i64: 128, 64>}, {transform_indices = @transform_5, window_bounds = array<i64: 1024, 64>}]} {
    %get3A = arith.constant 0 : index
    %get3A_0 = arith.constant 0 : index
    %get3A_1 = arith.constant 0 : index
    %get3A_2 = vector.load %arg3[%get3A, %get3A_0, %get3A_1] : memref<2x1024x16xf32, #tpu.memory_space<vmem>>, vector<1x1024x1xf32>
    %get3A_3 = vector.shape_cast %get3A_2 : vector<1x1024x1xf32> to vector<1024x1xf32>
    %add3A = arith.constant 1.000000e+00 : f32
    %add3A_4 = vector.broadcast %add3A : f32 to vector<1024x1xf32>
    %add3A_5 = arith.addf %add3A_4, %get3A_3 : vector<1024x1xf32>
    %get3A_6 = arith.constant 1 : index
    %get3A_7 = arith.constant 0 : index
    %get3A_8 = arith.constant 0 : index
    %get3A_9 = vector.load %arg3[%get3A_6, %get3A_7, %get3A_8] : memref<2x1024x16xf32, #tpu.memory_space<vmem>>, vector<1x1024x1xf32>
    %get3A_10 = vector.shape_cast %get3A_9 : vector<1x1024x1xf32> to vector<1024x1xf32>
    %add3A_11 = arith.addf %add3A_5, %get3A_10 : vector<1024x1xf32>
    %rsqrt3A = math.rsqrt %add3A_11 : vector<1024x1xf32>
    %get3A_12 = arith.constant 0 : index
    %get3A_13 = arith.constant 0 : index
    %get3A_14 = arith.constant 0 : index
    %get3A_15 = vector.load %arg1[%get3A_12, %get3A_13, %get3A_14] : memref<2x1024x128xf32, #tpu.memory_space<vmem>>, vector<1x1024x128xf32>
    %get3A_16 = vector.shape_cast %get3A_15 : vector<1x1024x128xf32> to vector<1024x128xf32>
    %get3A_17 = arith.constant 1 : index
    %get3A_18 = arith.constant 0 : index
    %get3A_19 = arith.constant 0 : index
    %get3A_20 = vector.load %arg1[%get3A_17, %get3A_18, %get3A_19] : memref<2x1024x128xf32, #tpu.memory_space<vmem>>, vector<1x1024x128xf32>
    %get3A_21 = vector.shape_cast %get3A_20 : vector<1x1024x128xf32> to vector<1024x128xf32>
    %add3A_22 = arith.addf %get3A_16, %get3A_21 : vector<1024x128xf32>
    %get3A_23 = arith.constant 0 : index
    %get3A_24 = arith.constant 0 : index
    %get3A_25 = vector.load %arg2[%get3A_23, %get3A_24] : memref<1024x128xf32, #tpu.memory_space<vmem>>, vector<1024x128xf32>
    %add3A_26 = arith.addf %add3A_22, %get3A_25 : vector<1024x128xf32>
    %mul3A = vector.broadcast %rsqrt3A : vector<1024x1xf32> to vector<1024x128xf32>
    %mul3A_27 = arith.mulf %mul3A, %add3A_26 : vector<1024x128xf32>
    %get3A_28 = arith.constant 0 : index
    %get3A_29 = arith.constant 0 : index
    %get3A_30 = vector.load %arg4[%get3A_28, %get3A_29] : memref<1x128xf32, #tpu.memory_space<vmem>>, vector<1x128xf32>
    %add3A_31 = vector.broadcast %get3A_30 : vector<1x128xf32> to vector<1024x128xf32>
    %add3A_32 = arith.addf %mul3A_27, %add3A_31 : vector<1024x128xf32>
    %max3A = arith.constant 0.000000e+00 : f32
    %max3A_33 = vector.broadcast %max3A : f32 to vector<1024x128xf32>
    %max3A_34 = arith.maximumf %add3A_32, %max3A_33 : vector<1024x128xf32>
    %get3A_35 = arith.constant 0 : index
    %get3A_36 = arith.constant 0 : index
    %get3A_37 = vector.load %arg5[%get3A_35, %get3A_36] : memref<128x64xf32, #tpu.memory_space<vmem>>, vector<128x64xf32>
    %dot_general3A = arith.constant dense<0.000000e+00> : vector<1024x64xf32>
    %dot_general3A_38 = tpu.matmul %max3A_34, %get3A_37, %dot_general3A {dimension_numbers = #tpu.dot_dimension_numbers<[1], [0], [0], [1], [0, 0, 1, 1], [], []>, transpose_lhs_hint = false} : vector<1024x128xf32>, vector<128x64xf32>, vector<1024x64xf32> -> vector<1024x64xf32>
    %mul3A_39 = vector.broadcast %rsqrt3A : vector<1024x1xf32> to vector<1024x64xf32>
    %mul3A_40 = arith.mulf %dot_general3A_38, %mul3A_39 : vector<1024x64xf32>
    %swap3A = arith.constant 0 : index
    %swap3A_41 = arith.constant 0 : index
    %swap3A_42 = vector.load %arg6[%swap3A, %swap3A_41] : memref<1024x64xf32, #tpu.memory_space<vmem>>, vector<1024x64xf32>
    tpu.vector_store %arg6[%swap3A, %swap3A_41], %mul3A_40 {strides = array<i32>} : memref<1024x64xf32, #tpu.memory_space<vmem>>, vector<1024x64xf32>,
    return
  }
  func.func @transform_0(%arg0: i32) -> (i32, i32, i32) {
    %c0_i32 = arith.constant 0 : i32
    %c0_i32_0 = arith.constant 0 : i32
    %c0_i32_1 = arith.constant 0 : i32
    return %c0_i32, %arg0, %c0_i32_0 : i32, i32, i32
  }
  func.func @transform_1(%arg0: i32) -> (i32, i32) {
    %c0_i32 = arith.constant 0 : i32
    %c0_i32_0 = arith.constant 0 : i32
    return %arg0, %c0_i32 : i32, i32
  }
  func.func @transform_2(%arg0: i32) -> (i32, i32, i32) {
    %c0_i32 = arith.constant 0 : i32
    %c0_i32_0 = arith.constant 0 : i32
    %c0_i32_1 = arith.constant 0 : i32
    return %c0_i32, %arg0, %c0_i32_0 : i32, i32, i32
  }
  func.func @transform_3(%arg0: i32) -> (i32, i32) {
    %c0_i32 = arith.constant 0 : i32
    %c0_i32_0 = arith.constant 0 : i32
    %c0_i32_1 = arith.constant 0 : i32
    return %c0_i32, %c0_i32_0 : i32, i32
  }
  func.func @transform_4(%arg0: i32) -> (i32, i32) {
    %c0_i32 = arith.constant 0 : i32
    %c0_i32_0 = arith.constant 0 : i32
    %c0_i32_1 = arith.constant 0 : i32
    return %c0_i32, %c0_i32_0 : i32, i32
  }
  func.func @transform_5(%arg0: i32) -> (i32, i32) {
    %c0_i32 = arith.constant 0 : i32
    %c0_i32_0 = arith.constant 0 : i32
    return %arg0, %c0_i32 : i32, i32
  }
}

module attributes {stable_mosaic.version = 14 : i64} {
  func.func @_tc3_body(%arg0: i32, %arg1: memref<2x1024x64xf32, #tpu.memory_space<vmem>>, %arg2: memref<1024x64xf32, #tpu.memory_space<vmem>>, %arg3: memref<2x1024x16xf32, #tpu.memory_space<vmem>>, %arg4: memref<1x64xf32, #tpu.memory_space<vmem>>, %arg5: memref<1024x64xf32, #tpu.memory_space<vmem>>) attributes {dimension_semantics = [#tpu.dimension_semantics<arbitrary>], iteration_bounds = array<i64: 10>, scalar_prefetch = 0 : i64, scratch_operands = 0 : i64, tpu.core_type = #tpu.core_type<tc>, window_params = [{transform_indices = @transform_0, window_bounds = array<i64: 2, 1024, 64>}, {transform_indices = @transform_1, window_bounds = array<i64: 1024, 64>}, {transform_indices = @transform_2, window_bounds = array<i64: 2, 1024, 16>}, {pipeline_mode = #tpu.pipeline_mode<synchronous>, transform_indices = @transform_3, window_bounds = array<i64: 1, 64>}, {transform_indices = @transform_4, window_bounds = array<i64: 1024, 64>}]} {
    %get3A = arith.constant 0 : index
    %get3A_0 = arith.constant 0 : index
    %get3A_1 = arith.constant 0 : index
    %get3A_2 = vector.load %arg3[%get3A, %get3A_0, %get3A_1] : memref<2x1024x16xf32, #tpu.memory_space<vmem>>, vector<1x1024x1xf32>
    %get3A_3 = vector.shape_cast %get3A_2 : vector<1x1024x1xf32> to vector<1024x1xf32>
    %add3A = arith.constant 1.000000e+00 : f32
    %add3A_4 = vector.broadcast %add3A : f32 to vector<1024x1xf32>
    %add3A_5 = arith.addf %add3A_4, %get3A_3 : vector<1024x1xf32>
    %get3A_6 = arith.constant 1 : index
    %get3A_7 = arith.constant 0 : index
    %get3A_8 = arith.constant 0 : index
    %get3A_9 = vector.load %arg3[%get3A_6, %get3A_7, %get3A_8] : memref<2x1024x16xf32, #tpu.memory_space<vmem>>, vector<1x1024x1xf32>
    %get3A_10 = vector.shape_cast %get3A_9 : vector<1x1024x1xf32> to vector<1024x1xf32>
    %add3A_11 = arith.addf %add3A_5, %get3A_10 : vector<1024x1xf32>
    %rsqrt3A = math.rsqrt %add3A_11 : vector<1024x1xf32>
    %get3A_12 = arith.constant 0 : index
    %get3A_13 = arith.constant 0 : index
    %get3A_14 = arith.constant 0 : index
    %get3A_15 = vector.load %arg1[%get3A_12, %get3A_13, %get3A_14] : memref<2x1024x64xf32, #tpu.memory_space<vmem>>, vector<1x1024x64xf32>
    %get3A_16 = vector.shape_cast %get3A_15 : vector<1x1024x64xf32> to vector<1024x64xf32>
    %get3A_17 = arith.constant 1 : index
    %get3A_18 = arith.constant 0 : index
    %get3A_19 = arith.constant 0 : index
    %get3A_20 = vector.load %arg1[%get3A_17, %get3A_18, %get3A_19] : memref<2x1024x64xf32, #tpu.memory_space<vmem>>, vector<1x1024x64xf32>
    %get3A_21 = vector.shape_cast %get3A_20 : vector<1x1024x64xf32> to vector<1024x64xf32>
    %add3A_22 = arith.addf %get3A_16, %get3A_21 : vector<1024x64xf32>
    %get3A_23 = arith.constant 0 : index
    %get3A_24 = arith.constant 0 : index
    %get3A_25 = vector.load %arg2[%get3A_23, %get3A_24] : memref<1024x64xf32, #tpu.memory_space<vmem>>, vector<1024x64xf32>
    %add3A_26 = arith.addf %add3A_22, %get3A_25 : vector<1024x64xf32>
    %mul3A = vector.broadcast %rsqrt3A : vector<1024x1xf32> to vector<1024x64xf32>
    %mul3A_27 = arith.mulf %mul3A, %add3A_26 : vector<1024x64xf32>
    %get3A_28 = arith.constant 0 : index
    %get3A_29 = arith.constant 0 : index
    %get3A_30 = vector.load %arg4[%get3A_28, %get3A_29] : memref<1x64xf32, #tpu.memory_space<vmem>>, vector<1x64xf32>
    %add3A_31 = vector.broadcast %get3A_30 : vector<1x64xf32> to vector<1024x64xf32>
    %add3A_32 = arith.addf %mul3A_27, %add3A_31 : vector<1024x64xf32>
    %swap3A = arith.constant 0 : index
    %swap3A_33 = arith.constant 0 : index
    %swap3A_34 = vector.load %arg5[%swap3A, %swap3A_33] : memref<1024x64xf32, #tpu.memory_space<vmem>>, vector<1024x64xf32>
    tpu.vector_store %arg5[%swap3A, %swap3A_33], %add3A_32 {strides = array<i32>} : memref<1024x64xf32, #tpu.memory_space<vmem>>, vector<1024x64xf32>,
    return
  }
  func.func @transform_0(%arg0: i32) -> (i32, i32, i32) {
    %c0_i32 = arith.constant 0 : i32
    %c0_i32_0 = arith.constant 0 : i32
    %c0_i32_1 = arith.constant 0 : i32
    return %c0_i32, %arg0, %c0_i32_0 : i32, i32, i32
  }
  func.func @transform_1(%arg0: i32) -> (i32, i32) {
    %c0_i32 = arith.constant 0 : i32
    %c0_i32_0 = arith.constant 0 : i32
    return %arg0, %c0_i32 : i32, i32
  }
  func.func @transform_2(%arg0: i32) -> (i32, i32, i32) {
    %c0_i32 = arith.constant 0 : i32
    %c0_i32_0 = arith.constant 0 : i32
    %c0_i32_1 = arith.constant 0 : i32
    return %c0_i32, %arg0, %c0_i32_0 : i32, i32, i32
  }
  func.func @transform_3(%arg0: i32) -> (i32, i32) {
    %c0_i32 = arith.constant 0 : i32
    %c0_i32_0 = arith.constant 0 : i32
    %c0_i32_1 = arith.constant 0 : i32
    return %c0_i32, %c0_i32_0 : i32, i32
  }
  func.func @transform_4(%arg0: i32) -> (i32, i32) {
    %c0_i32 = arith.constant 0 : i32
    %c0_i32_0 = arith.constant 0 : i32
    return %arg0, %c0_i32 : i32, i32
  }
}

</mosaic_0001>

<sc_bundles>
// kernel: kernel.11.cloned.1.call-start
scs
__scs_entry_jumppad:
0x0: {  	(pc) =	sbr.rel $0x88, $3  }
0x1: {  	(tag) =	ssettag $0x0;
	lr =	simm.s32 $0x1  }
0x2: {  	[smem:$0x3F9B] =	sst lr;
	_ =	strace $0xD0000000  }
0x3: {  	_ = 	snop  }
0x4: {  	_ = 	snop  }
0x5: {  	_ = 	snop  }
0x6: {  	_ = 	snop  }
0x7: {  	_ = 	snop  }
__scs_overlays_trampoline_lowered:
0x8: {  	[smem:$0x3FAA] =	sst s0  }
0x9: {  	[smem:$0x3FAB] =	sst s1  }
0xa: {  	[smem:$0x3FAC] =	sst s2  }
0xb: {  	[smem:$0x3FAD] =	sst s3  }
0xc: {  	[smem:$0x3FAE] =	sst s4  }
0xd: {  	[smem:$0x3FAF] =	sst s5  }
0xe: {  	[smem:$0x3FB0] =	sst s6  }
0xf: {  	[smem:$0x3FB1] =	sst s7  }
0x10: {  	[smem:$0x3FB2] =	sst s8  }
0x11: {  	[smem:$0x3FB3] =	sst s9;
	s0 =	simm.s32 @!p0 $0x0  }
0x12: {  	s1 =	sld [smem:$0x3F99];
	s0 =	simm.s32 @p0 $0x1  }
0x13: {  	[smem:$0x3FB4] =	sst s0;
	s0 =	simm.s32 @!p1 $0x0  }
0x14: {  	s2 =	sld [smem:$0x3F98];
	s0 =	simm.s32 @p1 $0x1  }
0x15: {  	[smem:$0x3FB5] =	sst s0;
	s0 =	simm.s32 @!p2 $0x0  }
0x16: {  	s3 =	sld [smem:$0x3FDB];
	s0 =	simm.s32 @p2 $0x1  }
0x17: {  	s4 =	simm.s32 $0x1BF5;
	[smem:$0x3FB7] =	sst s0  }
0x18: {  	s0 =	sld [smem:$0x3F9A];
	_ =	swait.ge [sflag:s4], $0x0  }
0x19: {  	s7 =	sld [smem:$0x3F9B]  }
0x1a: {  	s8 =	sadd.s32 $0xFFFFE003, lr  }
0x1b: {  	s9 =	sadd.s32 $0xFFFFFEF7, lr;
	s5 =	simm.s32 $0xFFFFFFFF;
	p2 =	slt.u32 s8, $0xFFFFF086  }
0x1c: {  	p1 =	slt.u32 s9, $0xF7A;
	s5 =	simm.s32 @!p2 $0x0  }
0x1d: {  	s5 =	simm.s32 @p1 $0x1;
	p0 =	seq.s32 s7, s2  }
0x1e: {  	s7 =	smul.u32 @!p0 $0xF7A, s2;
	p2 =	seq.s32 @!p0 s5, $0x0  }
0x1f: {  	s9 =	smul.u32 $0xF7A, s1;
	s8 =	simm.s32 @!p0 $0x1BF5;
	p2 =	por !p2, p0  }
0x20: {  	[sflag:s8] =	ssyncset.s32 @!p0 $0xFFFFF086;
	s6 =	sadd.s32 @!p0 s3, s7;
	s7 =	simm.s32 @!p0 $0x108  }
0x21: {  	s3 =	sadd.s32 s3, s9;
	s6 =	sadd.s32 @!p0 $0x88, s6;
	s7 =	simm.s32 @p2 $0x1082  }
0x22: {  	[simem:s7], [sflag:s8] =	dma.local @!p0 [hbm:s6], $0xF7A  }
0x23: {  	s9 =	sor.u32 $0xD0000000, s2;
	s6 =	simm.s32 $0x108;
	_ =	swait.ge @!p0 [sflag:s8], $0x0  }
0x24: {  	s3 =	sadd.s32 $0x88, s3;
	s6 =	simm.s32 @!p1 $0x1082;
	[sflag:s4] =	ssyncset.s32 $0xFFFFF086  }
0x25: {  	[simem:s6], [sflag:s4] =	dma.local [hbm:s3], $0xF7A  }
0x26: {  	[smem:$0x3F9B] =	sst s1;
	(tag) =	ssettag s2;
	_ =	strace s9  }
0x27: {  	s1 =	sld [smem:$0x3FAB]  }
0x28: {  	s2 =	sld [smem:$0x3FAC]  }
0x29: {  	s4 =	sld [smem:$0x3FAE]  }
0x2a: {  	p0 =	seq.s32 s5, $0x0;
	s5 =	sld [smem:$0x3FAF]  }
0x2b: {  	s6 =	sld [smem:$0x3FB0]  }
0x2c: {  	s7 =	sld [smem:$0x3FB1]  }
0x2d: {  	s3 =	simm.s32 $0x108;
	s8 =	sld [smem:$0x3FB2]  }
0x2e: {  	s3 =	simm.s32 @!p0 $0x1082;
	s9 =	sld [smem:$0x3FB3]  }
0x2f: {  	lr =	sadd.s32 s0, s3;
	s0 =	sld [smem:$0x3FAA]  }
0x30: {  	s3 =	sld [smem:$0x3FAD]  }
0x31: {  	[smem:$0x3FB6] =	sst s10  }
0x32: {  	s10 =	sld [smem:$0x3FB4];
	_ =	sdelay $0x3  }
0x33: {  	p0 =	seq.s32 s10, $0x1;
	s10 =	sld [smem:$0x3FB6];
	_ =	sdelay $0x3  }
0x34: {  	[smem:$0x3FB6] =	sst s10  }
0x35: {  	s10 =	sld [smem:$0x3FB5];
	_ =	sdelay $0x3  }
0x36: {  	p1 =	seq.s32 s10, $0x1;
	s10 =	sld [smem:$0x3FB6];
	_ =	sdelay $0x3  }
0x37: {  	[smem:$0x3FB6] =	sst s10  }
0x38: {  	s10 =	sld [smem:$0x3FB7]  }
0x39: {  	_ = 	snop;
	(pc) =	sbr.ind lr, $3  }
0x3a: {  	_ = 	snop  }
0x3b: {  	_ = 	snop  }
0x3c: {  	p2 =	seq.s32 s10, $0x1;
	s10 =	sld [smem:$0x3FB6]  }
0x3d: {  	_ =	shalt  }
0x3e: {  	_ =	shalt  }
0x3f: {  	_ =	shalt  }
0x40: {  	_ =	shalt  }
0x41: {  	_ =	shalt  }
0x42: {  	_ =	shalt  }
0x43: {  	_ =	shalt  }
0x44: {  	_ =	shalt  }
0x45: {  	_ =	shalt  }
0x46: {  	_ =	shalt  }
0x47: {  	_ =	shalt  }
0x48: {  	_ =	shalt  }
0x49: {  	_ =	shalt  }
0x4a: {  	_ =	shalt  }
0x4b: {  	_ =	shalt  }
0x4c: {  	_ =	shalt  }
0x4d: {  	_ =	shalt  }
0x4e: {  	_ =	shalt  }
0x4f: {  	_ =	shalt  }
0x50: {  	_ =	shalt  }
0x51: {  	_ =	shalt  }
0x52: {  	_ =	shalt  }
0x53: {  	_ =	shalt  }
0x54: {  	_ =	shalt  }
0x55: {  	_ =	shalt  }
0x56: {  	_ =	shalt  }
0x57: {  	_ =	shalt  }
0x58: {  	_ =	shalt  }
0x59: {  	_ =	shalt  }
0x5a: {  	_ =	shalt  }
0x5b: {  	_ =	shalt  }
0x5c: {  	_ =	shalt  }
0x5d: {  	_ =	shalt  }
0x5e: {  	_ =	shalt  }
0x5f: {  	_ =	shalt  }
0x60: {  	_ =	shalt  }
0x61: {  	_ =	shalt  }
0x62: {  	_ =	shalt  }
0x63: {  	_ =	shalt  }
0x64: {  	_ =	shalt  }
0x65: {  	_ =	shalt  }
0x66: {  	_ =	shalt  }
0x67: {  	_ =	shalt  }
0x68: {  	_ =	shalt  }
0x69: {  	_ =	shalt  }
0x6a: {  	_ =	shalt  }
0x6b: {  	_ =	shalt  }
0x6c: {  	_ =	shalt  }
0x6d: {  	_ =	shalt  }
0x6e: {  	_ =	shalt  }
0x6f: {  	_ =	shalt  }
0x70: {  	_ =	shalt  }
0x71: {  	_ =	shalt  }
0x72: {  	_ =	shalt  }
0x73: {  	_ =	shalt  }
0x74: {  	_ =	shalt  }
0x75: {  	_ =	shalt  }
0x76: {  	_ =	shalt  }
0x77: {  	_ =	shalt  }
0x78: {  	_ =	shalt  }
0x79: {  	_ =	shalt  }
0x7a: {  	_ =	shalt  }
0x7b: {  	_ =	shalt  }
0x7c: {  	_ =	shalt  }
0x7d: {  	_ =	shalt  }
0x7e: {  	_ =	shalt  }
0x7f: {  	_ =	shalt  }
0x80: {  	_ =	shalt  }
0x81: {  	_ =	shalt  }
0x82: {  	_ =	shalt  }
0x83: {  	_ =	shalt  }
0x84: {  	_ =	shalt  }
0x85: {  	_ =	shalt  }
0x86: {  	_ =	shalt  }
0x87: {  	_ =	shalt  }
.Lfunc_end0:
.L_simem_size_0:
called_computation.1_lowered:
.L_overlay_start_0:
0x88: {  	s2 =	sld [smem:$0x3FD9]  }
0x89: {  	s3 =	sld [smem:$0x3FFE];
	_ =	sdelay $0x1  }
0x8a: {  	s1 =	srdreg.scid  }
0x8b: {  	s0 =	sand.u32 $0x1, s1  }
0x8c: {  	s17 =	sshll.u32 s0, $0xA;
	s2 =	sadd.s32 s3, s2  }
0x8d: {  	s2 =	sadd.s32 s2, s17  }
0x8e: {  	[smem:$0x3FC2] =	sst s2  }
0x8f: {  	_ = 	snop  }
0x90: {  	s2 =	sld [smem:$0x3FD0];
	(tm) =	ssettm $0x1  }
0x91: {  	s18 =	sld [smem:$0x3FFB];
	_ =	sdelay $0x3  }
0x92: {  	_ =	strace s18  }
0x93: {  	s3 =	sld [smem:$0x3FFC];
	_ =	sdelay $0x3  }
0x94: {  	_ =	strace s3  }
0x95: {  	s3 =	sld [smem:$0x3FFD];
	_ =	sdelay $0x3  }
0x96: {  	_ =	strace s3  }
0x97: {  	_ =	strace $0x8FFFFFFF  }
0x98: {  	s19 =	sld [smem:$0x3FDB];
	_ =	sdelay $0x1  }
0x99: {  	s4 =	simm.s32 $_scs_section_size  }
0x9a: {  	s5 =	simm.s32 $_size__tile_overlayer_lowered;
	s6 =	simm.s32 $_tile_overlayer_lowered  }
0x9b: {  	s22 =	simm.s32 $0x1BFF;
	s21 =	sshll.u32 s6, $0x1;
	s3 =	sadd.s32 s4, s19  }
0x9c: {  	s7 =	simm.s32 $0x0;
	s20 =	sshll.u32 s5, $0x1;
	s5 =	sadd.s32 s21, s3  }
0x9d: {  	[timem:s7], [sflag:s22] =	dma.local [hbm:s5], s20  }
0x9e: {  	_ =	swait.ge [sflag:s22], s20  }
0x9f: {  	s4 =	ssub.s32 $0x0, s20;
	[sflag:s22] =	ssyncset.done $0x0  }
0xa0: {  	[sflag:s22] =	ssyncadd.s32 s4;
	_ =	sdelay $0x1  }
0xa1: {  	s23 =	simm.s32 $0x1B8B  }
0xa2: {  	_ =	swait.ge [sflag:s23], $0x1  }
0xa3: {  	[sflag:s23] =	ssyncset.done $0x0  }
0xa4: {  	s25 =	simm.s32 $0x1B8E;
	s24 =	sld [smem:$0x3FFE];
	[sflag:s23] =	ssyncadd.s32 $0xFFFFFFFF  }
0xa5: {  	s26 =	simm.s32 $execute0_lowered;
	[smem:$0x3FD2] =	sst s25  }
0xa6: {  	s5 =	sshll.u32 s26, $0x1;
	_ =	strace $0x80000049;
	[dreg:$0x1] =	wrdreg $0xFFFFFFFF  }
0xa7: {  	s28 =	simm.s32 $_size_execute0_lowered;
	s3 =	sadd.s32 s3, s5;
	[dreg:$0x0] =	wrdreg $0x0  }
0xa8: {  	s5 =	sshll.u32 s28, $0x1;
	[dreg:$0x2] =	wrdreg s3  }
0xa9: {  	[dreg:$0x3] =	wrdreg s5  }
0xaa: {  	[dreg:$0x4] =	wrdreg $0xC0  }
0xab: {  	_ =	task [dreg:s7], $0x5FFFF  }
0xac: {  	[dreg:$0x1] =	wrdreg $0xFFFFFFFF  }
0xad: {  	[dreg:$0x0] =	wrdreg $0x60  }
0xae: {  	[dreg:$0x2] =	wrdreg s24  }
0xaf: {  	[dreg:$0x3] =	wrdreg s2  }
0xb0: {  	[dreg:$0x4] =	wrdreg $0xA5000  }
0xb1: {  	[dreg:$0x5] =	wrdreg $0x9  }
0xb2: {  	_ =	task.clear_ibuf [dreg:s7], $0x6FFFF;
	_ =	strace $0x90000049  }
0xb3: {  	s29 =	simm.s32 $0x9;
	_ =	strace $0x8000004B  }
0xb4: {  	_ =	swait.ge [sflag:s29], $0x1  }
0xb5: {  	[sflag:s29] =	ssyncadd.s32 $0xFFFFFFFF  }
0xb6: {  	_ =	strace $0x9000004B  }
0xb7: {  	_ =	sfence  }
0xb8: {  	s30 =	sld [smem:$0x0];
	_ =	sdelay $0x2  }
0xb9: {  	s31 =	sshll.u32 s1, $0xD;
	s1 =	sshrl.u32 s1, $0x2  }
0xba: {  	s3 =	sand.u32 $0x4000, s31;
	s1 =	sadd.s32 s1, s30  }
0xbb: {  	s0 =	sor.u32 s3, s0;
	s1 =	sshll.u32 s1, $0x11  }
0xbc: {  	s0 =	sor.u32 s1, s0  }
0xbd: {  	s0 =	sadd.s32 $0x8F2B, s0  }
0xbe: {  	[sflag:s0] =	ssyncadd.remote.s32 $0x1  }
0xbf: {  	_ =	sfence.sel $0xFFFF  }
0xc0: {  	[dreg:$0x0] =	wrdreg $0xFFFFFFFF;
	(pc) =	sbr.abs _section_cstart, $3  }
0xc1: {  	[dreg:$0x1] =	wrdreg $0xFFFFFFFF  }
0xc2: {  	_ =	task.clear_ibuf [dreg:s7], $0x2FFFF;
	_ =	strace $0x9FFFFFFF  }
0xc3: {  	(tm) =	ssettm $0x7FFFFFFF  }
tec
execute0_lowered:
.L_overlay_start_1:
0x0: {  	(tag) =	ssettag $0x1  }
0x1: {  	s6 =	rddreg [dreg:$0x0]  }
0x2: {  	s0 =	srdreg.scid;
	s7 =	rddreg [dreg:$0x1]  }
0x3: {  	s2 =	rddreg [dreg:$0x2];
	s3 =	simm.s32 $0x0;
	s15 =	simm.s32 $0x6500  }
0x4: {  	s16 =	simm.s32 $0x1;
	s5 =	sand.u32 $0x1, s0;
	s0 =	stileid.u32  }
0x5: {  	s17 =	simm.s32 $0x0;
	[smem:$0x7FF] =	sst s3;
	s9 =	smul.u32 $0x14000, s0  }
0x6: {  	s4 =	sadd.s32 $0x6E000, s6;
	s1 =	sshll.u32 s5, $0x4;
	s10 =	smul.u32 $0x140000, s5  }
0x7: {  	s13 =	ssub.s32 $0x2, s5;
	p0 =	seq.s32 s5, $0x0;
	s5 =	simm.s32 $0x38  }
0x8: {  	s31 =	sshll.u32 s0, $0x6;
	s1 =	sor.u32 s0, s1;
	s30 =	sshrl.u32 s13, $0x1  }
0x9: {  	s5 =	simm.s32 @!p0 $0x65;
	s8 =	smul.u32 $0x650, s1;
	s1 =	rddreg [dreg:$0x3]  }
0xa: {  	_ =	strace $0x8000004A;
	s10 =	sadd.s32 s9, s10;
	s12 =	sshrl.u32 s9, $0x3  }
0xb: {  	s13 =	ssub.s32 s13, s30;
	s14 =	sadd.s32 s9, s2;
	s10 =	sshrl.u32 s10, $0x3  }
0xc: {  	s12 =	sadd.s32 s12, s6;
	s11 =	sadd.s32 s8, s6;
	s10 =	sadd.s32 s10, s6  }
0xd: {  	s7 =	sadd.s32 s7, s8;
	s8 =	sadd.s32 $0x96000, s12;
	s12 =	sor.u32 $0x1C02, s31  }
0xe: {  	s6 =	sadd.s32 $0x11600, s11;
	s9 =	sadd.s32 $0xBE000, s10;
	s10 =	smax.u32 s13, $0x1  }
0xf: {  	s11 =	simm.s32 $0x2;
	s13 =	sshrl.u32 s14, $0x3;
	s14 =	simm.s32 $0x80  }
.LBB2_1:
0x10: {  	[tilespmem:s3], [sflag:$0x2] =	stream.linear.gather [hbm4b:s6+s3], $0x3280, $0x38;
	[tilespmem:$0x1E500] =	vst v63  }
0x11: {  	_ =	swait.ge [sflag:s11], $0x3280  }
0x12: {  	[sflag:s11] =	ssyncset.done $0x0  }
0x13: {  	s18 =	simm.s32 $0x3280;
	[sflag:s11] =	ssyncadd.s32 $0xFFFFCD80  }
0x14: {  	[tilespmem:s18], [sflag:$0x2] =	stream.linear.gather [hbm4b:s7+s3], $0x3280, $0x38;
	[tilespmem:$0x1E500] =	vst v63  }
0x15: {  	_ =	swait.ge [sflag:s11], $0x3280  }
0x16: {  	[sflag:s11] =	ssyncset.done $0x0  }
0x17: {  	[sflag:s11] =	ssyncadd.s32 $0xFFFFCD80  }
0x18: {  	[spmem:s13], [sflag:s12] =	dma.local [hbm:s8], $0x2800  }
0x19: {  	_ =	swait.ge [sflag:s11], $0x2800  }
0x1a: {  	[sflag:s11] =	ssyncset.done $0x0  }
0x1b: {  	[sflag:s11] =	ssyncadd.s32 $0xFFFFD800  }
0x1c: {  	[bflag:$0x0] =	sbarrier.arrive $0xFFFF  }
0x1d: {  	[tilespmem:s15], [sflag:$0x1] =	stream.indirect.gather [hbm4b:s4+s14], $0x80, s3, s14, $0xb8;
	[tilespmem:$0x1E500] =	vst v63  }
0x1e: {  	p0 =	sne.s32 s5, $0x1;
	_ =	swait.ge [sflag:s16], $0x4000  }
.Ltmp0:
0x1f: {  	[sflag:s16] =	ssyncset.done $0x0;
	(pc) =	sbr.rel @!p0 .LBB2_3-.Ltmp0, $4  }
0x20: {  	[sflag:s16] =	ssyncadd.s32 $0xFFFFC000  }
0x21: {  	[spmem:s2] =	stream.indirect.scatter.add.f32 [tilespmem:s15], [sflag:$0x2], $0x80, s18, s14, $0xb8;
	[tilespmem:$0x1E500] =	vst v63  }
0x22: {  	_ =	swait.ge [sflag:s11], $0x4000  }
0x23: {  	s19 =	sadd.s32 $0xFFFFFFFF, s5;
	s20 =	simm.s32 $0x0;
	[sflag:s11] =	ssyncset.done $0x0  }
.LBB2_2:
0x24: {  	[sflag:s11] =	ssyncadd.s32 $0xFFFFC000;
	s20 =	sadd.s32 $0x80, s20;
	s18 =	sadd.s32 $0x80, s18  }
0x25: {  	[tilespmem:s15], [sflag:$0x1] =	stream.indirect.gather [hbm4b:s4+s14], $0x80, s20, s14, $0xb8;
	[tilespmem:$0x1E500] =	vst v63  }
0x26: {  	p0 =	sne.s32 s19, $0x1;
	s19 =	sadd.s32 $0xFFFFFFFF, s19;
	_ =	swait.ge [sflag:s16], $0x4000  }
.Ltmp1:
0x27: {  	[sflag:s16] =	ssyncset.done $0x0;
	(pc) =	sbr.rel @p0 .LBB2_2-.Ltmp1, $4  }
0x28: {  	[sflag:s16] =	ssyncadd.s32 $0xFFFFC000  }
0x29: {  	[spmem:s2] =	stream.indirect.scatter.add.f32 [tilespmem:s15], [sflag:$0x2], $0x80, s18, s14, $0xb8;
	[tilespmem:$0x1E500] =	vst v63  }
0x2a: {  	_ =	swait.ge [sflag:s11], $0x4000  }
0x2b: {  	[sflag:s11] =	ssyncset.done $0x0  }
.LBB2_3:
0x2c: {  	s17 =	sadd.s32 $0x1, s17  }
0x2d: {  	[sflag:s11] =	ssyncadd.s32 $0xFFFFC000;
	p0 =	sne.s32 s17, s10  }
.Ltmp2:
0x2e: {  	[bflag:$0x0] =	sbarrier.arrive $0xFFFF;
	(pc) =	sbr.rel @p0 .LBB2_1-.Ltmp2, $4  }
0x2f: {  	[hbm:s9], [sflag:s12] =	dma.local [spmem:s13], $0x2800  }
0x30: {  	_ =	swait.ge [sflag:s11], $0x2800  }
0x31: {  	[sflag:s11] =	ssyncset.done $0x0  }
0x32: {  	[sflag:s11] =	ssyncadd.s32 $0xFFFFD800  }
0x33: {  	_ =	sfence.sel $0x180000  }
0x34: {  	[bflag:$0x0] =	sbarrier.arrive $0xFFFF  }
0x35: {  	p0 =	sne.s32 s0, $0x0;
	_ =	strace $0x9000004A  }
0x36: {  	s0 =	sadd.s32 @!p0 $0x100000, s1;
	[bflag:$0x2] =	sbarrier.arrive $0xFFFF  }
0x37: {  	[sflag:s0] =	ssyncadd.tile.s32 @!p0 $0x1;
	_ =	shalt  }
.Lfunc_end2:
_tile_overlayer_lowered:
.L_overlay_start_2:
0x38: {  	(tag) =	ssettag $0x2  }
0x39: {  	s0 =	rddreg [dreg:$0x0];
	s2 =	stileid.u32  }
0x3a: {  	s1 =	rddreg [dreg:$0x1];
	p0 =	sne.s32 s2, $0x0  }
0x3b: {  	s3 =	rddreg [dreg:$0x2];
	[bflag:$0x3] =	sbarrier.arrive $0xFFFF;
	s2 =	simm.s32 @!p0 $0x1C02  }
0x3c: {  	[timem:s3], [sflag:s2] =	dma.local @!p0 [hbm:s0], s1  }
0x3d: {  	s0 =	simm.s32 @!p0 $0x2  }
0x3e: {  	_ =	swait.ge @!p0 [sflag:s0], s1  }
0x3f: {  	s1 =	ssub.s32 @!p0 $0x0, s1;
	[sflag:s0] =	ssyncset.done @!p0 $0x0  }
0x40: {  	[sflag:s0] =	ssyncadd.s32 @!p0 s1  }
0x41: {  	[bflag:$0x3] =	sbarrier.arrive $0xFFFF  }
0x42: {  	_ =	shalt  }

// kernel: kernel.14.cloned.1.call-start
scs
__scs_entry_jumppad:
0x0: {  	(pc) =	sbr.rel $0x88, $3  }
0x1: {  	(tag) =	ssettag $0x0;
	lr =	simm.s32 $0x1  }
0x2: {  	[smem:$0x3F9B] =	sst lr;
	_ =	strace $0xD0000000  }
0x3: {  	_ = 	snop  }
0x4: {  	_ = 	snop  }
0x5: {  	_ = 	snop  }
0x6: {  	_ = 	snop  }
0x7: {  	_ = 	snop  }
__scs_overlays_trampoline_lowered:
0x8: {  	[smem:$0x3FAA] =	sst s0  }
0x9: {  	[smem:$0x3FAB] =	sst s1  }
0xa: {  	[smem:$0x3FAC] =	sst s2  }
0xb: {  	[smem:$0x3FAD] =	sst s3  }
0xc: {  	[smem:$0x3FAE] =	sst s4  }
0xd: {  	[smem:$0x3FAF] =	sst s5  }
0xe: {  	[smem:$0x3FB0] =	sst s6  }
0xf: {  	[smem:$0x3FB1] =	sst s7  }
0x10: {  	[smem:$0x3FB2] =	sst s8  }
0x11: {  	[smem:$0x3FB3] =	sst s9;
	s0 =	simm.s32 @!p0 $0x0  }
0x12: {  	s1 =	sld [smem:$0x3F99];
	s0 =	simm.s32 @p0 $0x1  }
0x13: {  	[smem:$0x3FB4] =	sst s0;
	s0 =	simm.s32 @!p1 $0x0  }
0x14: {  	s2 =	sld [smem:$0x3F98];
	s0 =	simm.s32 @p1 $0x1  }
0x15: {  	[smem:$0x3FB5] =	sst s0;
	s0 =	simm.s32 @!p2 $0x0  }
0x16: {  	s3 =	sld [smem:$0x3FDB];
	s0 =	simm.s32 @p2 $0x1  }
0x17: {  	s4 =	simm.s32 $0x1BF5;
	[smem:$0x3FB7] =	sst s0  }
0x18: {  	s0 =	sld [smem:$0x3F9A];
	_ =	swait.ge [sflag:s4], $0x0  }
0x19: {  	s7 =	sld [smem:$0x3F9B]  }
0x1a: {  	s8 =	sadd.s32 $0xFFFFE003, lr  }
0x1b: {  	s9 =	sadd.s32 $0xFFFFFEF7, lr;
	s5 =	simm.s32 $0xFFFFFFFF;
	p2 =	slt.u32 s8, $0xFFFFF086  }
0x1c: {  	p1 =	slt.u32 s9, $0xF7A;
	s5 =	simm.s32 @!p2 $0x0  }
0x1d: {  	s5 =	simm.s32 @p1 $0x1;
	p0 =	seq.s32 s7, s2  }
0x1e: {  	s7 =	smul.u32 @!p0 $0xF7A, s2;
	p2 =	seq.s32 @!p0 s5, $0x0  }
0x1f: {  	s9 =	smul.u32 $0xF7A, s1;
	s8 =	simm.s32 @!p0 $0x1BF5;
	p2 =	por !p2, p0  }
0x20: {  	[sflag:s8] =	ssyncset.s32 @!p0 $0xFFFFF086;
	s6 =	sadd.s32 @!p0 s3, s7;
	s7 =	simm.s32 @!p0 $0x108  }
0x21: {  	s3 =	sadd.s32 s3, s9;
	s6 =	sadd.s32 @!p0 $0x88, s6;
	s7 =	simm.s32 @p2 $0x1082  }
0x22: {  	[simem:s7], [sflag:s8] =	dma.local @!p0 [hbm:s6], $0xF7A  }
0x23: {  	s9 =	sor.u32 $0xD0000000, s2;
	s6 =	simm.s32 $0x108;
	_ =	swait.ge @!p0 [sflag:s8], $0x0  }
0x24: {  	s3 =	sadd.s32 $0x88, s3;
	s6 =	simm.s32 @!p1 $0x1082;
	[sflag:s4] =	ssyncset.s32 $0xFFFFF086  }
0x25: {  	[simem:s6], [sflag:s4] =	dma.local [hbm:s3], $0xF7A  }
0x26: {  	[smem:$0x3F9B] =	sst s1;
	(tag) =	ssettag s2;
	_ =	strace s9  }
0x27: {  	s1 =	sld [smem:$0x3FAB]  }
0x28: {  	s2 =	sld [smem:$0x3FAC]  }
0x29: {  	s4 =	sld [smem:$0x3FAE]  }
0x2a: {  	p0 =	seq.s32 s5, $0x0;
	s5 =	sld [smem:$0x3FAF]  }
0x2b: {  	s6 =	sld [smem:$0x3FB0]  }
0x2c: {  	s7 =	sld [smem:$0x3FB1]  }
0x2d: {  	s3 =	simm.s32 $0x108;
	s8 =	sld [smem:$0x3FB2]  }
0x2e: {  	s3 =	simm.s32 @!p0 $0x1082;
	s9 =	sld [smem:$0x3FB3]  }
0x2f: {  	lr =	sadd.s32 s0, s3;
	s0 =	sld [smem:$0x3FAA]  }
0x30: {  	s3 =	sld [smem:$0x3FAD]  }
0x31: {  	[smem:$0x3FB6] =	sst s10  }
0x32: {  	s10 =	sld [smem:$0x3FB4];
	_ =	sdelay $0x3  }
0x33: {  	p0 =	seq.s32 s10, $0x1;
	s10 =	sld [smem:$0x3FB6];
	_ =	sdelay $0x3  }
0x34: {  	[smem:$0x3FB6] =	sst s10  }
0x35: {  	s10 =	sld [smem:$0x3FB5];
	_ =	sdelay $0x3  }
0x36: {  	p1 =	seq.s32 s10, $0x1;
	s10 =	sld [smem:$0x3FB6];
	_ =	sdelay $0x3  }
0x37: {  	[smem:$0x3FB6] =	sst s10  }
0x38: {  	s10 =	sld [smem:$0x3FB7]  }
0x39: {  	_ = 	snop;
	(pc) =	sbr.ind lr, $3  }
0x3a: {  	_ = 	snop  }
0x3b: {  	_ = 	snop  }
0x3c: {  	p2 =	seq.s32 s10, $0x1;
	s10 =	sld [smem:$0x3FB6]  }
0x3d: {  	_ =	shalt  }
0x3e: {  	_ =	shalt  }
0x3f: {  	_ =	shalt  }
0x40: {  	_ =	shalt  }
0x41: {  	_ =	shalt  }
0x42: {  	_ =	shalt  }
0x43: {  	_ =	shalt  }
0x44: {  	_ =	shalt  }
0x45: {  	_ =	shalt  }
0x46: {  	_ =	shalt  }
0x47: {  	_ =	shalt  }
0x48: {  	_ =	shalt  }
0x49: {  	_ =	shalt  }
0x4a: {  	_ =	shalt  }
0x4b: {  	_ =	shalt  }
0x4c: {  	_ =	shalt  }
0x4d: {  	_ =	shalt  }
0x4e: {  	_ =	shalt  }
0x4f: {  	_ =	shalt  }
0x50: {  	_ =	shalt  }
0x51: {  	_ =	shalt  }
0x52: {  	_ =	shalt  }
0x53: {  	_ =	shalt  }
0x54: {  	_ =	shalt  }
0x55: {  	_ =	shalt  }
0x56: {  	_ =	shalt  }
0x57: {  	_ =	shalt  }
0x58: {  	_ =	shalt  }
0x59: {  	_ =	shalt  }
0x5a: {  	_ =	shalt  }
0x5b: {  	_ =	shalt  }
0x5c: {  	_ =	shalt  }
0x5d: {  	_ =	shalt  }
0x5e: {  	_ =	shalt  }
0x5f: {  	_ =	shalt  }
0x60: {  	_ =	shalt  }
0x61: {  	_ =	shalt  }
0x62: {  	_ =	shalt  }
0x63: {  	_ =	shalt  }
0x64: {  	_ =	shalt  }
0x65: {  	_ =	shalt  }
0x66: {  	_ =	shalt  }
0x67: {  	_ =	shalt  }
0x68: {  	_ =	shalt  }
0x69: {  	_ =	shalt  }
0x6a: {  	_ =	shalt  }
0x6b: {  	_ =	shalt  }
0x6c: {  	_ =	shalt  }
0x6d: {  	_ =	shalt  }
0x6e: {  	_ =	shalt  }
0x6f: {  	_ =	shalt  }
0x70: {  	_ =	shalt  }
0x71: {  	_ =	shalt  }
0x72: {  	_ =	shalt  }
0x73: {  	_ =	shalt  }
0x74: {  	_ =	shalt  }
0x75: {  	_ =	shalt  }
0x76: {  	_ =	shalt  }
0x77: {  	_ =	shalt  }
0x78: {  	_ =	shalt  }
0x79: {  	_ =	shalt  }
0x7a: {  	_ =	shalt  }
0x7b: {  	_ =	shalt  }
0x7c: {  	_ =	shalt  }
0x7d: {  	_ =	shalt  }
0x7e: {  	_ =	shalt  }
0x7f: {  	_ =	shalt  }
0x80: {  	_ =	shalt  }
0x81: {  	_ =	shalt  }
0x82: {  	_ =	shalt  }
0x83: {  	_ =	shalt  }
0x84: {  	_ =	shalt  }
0x85: {  	_ =	shalt  }
0x86: {  	_ =	shalt  }
0x87: {  	_ =	shalt  }
.Lfunc_end0:
.L_simem_size_0:
called_computation.2_lowered:
.L_overlay_start_0:
0x88: {  	s2 =	sld [smem:$0x3FD9]  }
0x89: {  	s3 =	sld [smem:$0x3FFE];
	_ =	sdelay $0x1  }
0x8a: {  	s1 =	srdreg.scid  }
0x8b: {  	s0 =	sand.u32 $0x1, s1  }
0x8c: {  	s17 =	sshll.u32 s0, $0xA;
	s2 =	sadd.s32 s3, s2  }
0x8d: {  	s2 =	sadd.s32 s2, s17  }
0x8e: {  	[smem:$0x3FC2] =	sst s2  }
0x8f: {  	_ = 	snop  }
0x90: {  	s2 =	sld [smem:$0x3FD0];
	(tm) =	ssettm $0x1  }
0x91: {  	s18 =	sld [smem:$0x3FFB];
	_ =	sdelay $0x3  }
0x92: {  	_ =	strace s18  }
0x93: {  	s3 =	sld [smem:$0x3FFC];
	_ =	sdelay $0x3  }
0x94: {  	_ =	strace s3  }
0x95: {  	s3 =	sld [smem:$0x3FFD];
	_ =	sdelay $0x3  }
0x96: {  	_ =	strace s3  }
0x97: {  	_ =	strace $0x8FFFFFFF  }
0x98: {  	s19 =	sld [smem:$0x3FDB];
	_ =	sdelay $0x1  }
0x99: {  	s4 =	simm.s32 $_scs_section_size  }
0x9a: {  	s5 =	simm.s32 $_size__tile_overlayer_lowered;
	s6 =	simm.s32 $_tile_overlayer_lowered  }
0x9b: {  	s22 =	simm.s32 $0x1BFF;
	s21 =	sshll.u32 s6, $0x1;
	s3 =	sadd.s32 s4, s19  }
0x9c: {  	s7 =	simm.s32 $0x0;
	s20 =	sshll.u32 s5, $0x1;
	s5 =	sadd.s32 s21, s3  }
0x9d: {  	[timem:s7], [sflag:s22] =	dma.local [hbm:s5], s20  }
0x9e: {  	_ =	swait.ge [sflag:s22], s20  }
0x9f: {  	s4 =	ssub.s32 $0x0, s20;
	[sflag:s22] =	ssyncset.done $0x0  }
0xa0: {  	[sflag:s22] =	ssyncadd.s32 s4;
	_ =	sdelay $0x1  }
0xa1: {  	s23 =	simm.s32 $0x1B8B  }
0xa2: {  	_ =	swait.ge [sflag:s23], $0x1  }
0xa3: {  	[sflag:s23] =	ssyncset.done $0x0  }
0xa4: {  	s25 =	simm.s32 $0x1B8E;
	s24 =	sld [smem:$0x3FFE];
	[sflag:s23] =	ssyncadd.s32 $0xFFFFFFFF  }
0xa5: {  	s26 =	simm.s32 $execute0_lowered;
	[smem:$0x3FD2] =	sst s25  }
0xa6: {  	s5 =	sshll.u32 s26, $0x1;
	_ =	strace $0x8000004C;
	[dreg:$0x1] =	wrdreg $0xFFFFFFFF  }
0xa7: {  	s28 =	simm.s32 $_size_execute0_lowered;
	s3 =	sadd.s32 s3, s5;
	[dreg:$0x0] =	wrdreg $0x0  }
0xa8: {  	s5 =	sshll.u32 s28, $0x1;
	[dreg:$0x2] =	wrdreg s3  }
0xa9: {  	[dreg:$0x3] =	wrdreg s5  }
0xaa: {  	[dreg:$0x4] =	wrdreg $0xC0  }
0xab: {  	_ =	task [dreg:s7], $0x5FFFF  }
0xac: {  	[dreg:$0x1] =	wrdreg $0xFFFFFFFF  }
0xad: {  	[dreg:$0x0] =	wrdreg $0x60  }
0xae: {  	[dreg:$0x2] =	wrdreg s24  }
0xaf: {  	[dreg:$0x3] =	wrdreg s2  }
0xb0: {  	[dreg:$0x4] =	wrdreg $0x85000  }
0xb1: {  	[dreg:$0x5] =	wrdreg $0x9  }
0xb2: {  	_ =	task.clear_ibuf [dreg:s7], $0x6FFFF;
	_ =	strace $0x9000004C  }
0xb3: {  	s29 =	simm.s32 $0x9;
	_ =	strace $0x8000004E  }
0xb4: {  	_ =	swait.ge [sflag:s29], $0x1  }
0xb5: {  	[sflag:s29] =	ssyncadd.s32 $0xFFFFFFFF  }
0xb6: {  	_ =	strace $0x9000004E  }
0xb7: {  	_ =	sfence  }
0xb8: {  	s30 =	sld [smem:$0x0];
	_ =	sdelay $0x2  }
0xb9: {  	s31 =	sshll.u32 s1, $0xD;
	s1 =	sshrl.u32 s1, $0x2  }
0xba: {  	s3 =	sand.u32 $0x4000, s31;
	s1 =	sadd.s32 s1, s30  }
0xbb: {  	s0 =	sor.u32 s3, s0;
	s1 =	sshll.u32 s1, $0x11  }
0xbc: {  	s0 =	sor.u32 s1, s0  }
0xbd: {  	s0 =	sadd.s32 $0x8F2B, s0  }
0xbe: {  	[sflag:s0] =	ssyncadd.remote.s32 $0x1  }
0xbf: {  	_ =	sfence.sel $0xFFFF  }
0xc0: {  	[dreg:$0x0] =	wrdreg $0xFFFFFFFF;
	(pc) =	sbr.abs _section_cstart, $3  }
0xc1: {  	[dreg:$0x1] =	wrdreg $0xFFFFFFFF  }
0xc2: {  	_ =	task.clear_ibuf [dreg:s7], $0x2FFFF;
	_ =	strace $0x9FFFFFFF  }
0xc3: {  	(tm) =	ssettm $0x7FFFFFFF  }
tec
execute0_lowered:
.L_overlay_start_1:
0x0: {  	(tag) =	ssettag $0x1  }
0x1: {  	s6 =	rddreg [dreg:$0x0]  }
0x2: {  	s0 =	srdreg.scid;
	s7 =	rddreg [dreg:$0x1]  }
0x3: {  	s2 =	rddreg [dreg:$0x2];
	s3 =	simm.s32 $0x0;
	s15 =	simm.s32 $0x6500  }
0x4: {  	s16 =	simm.s32 $0x1;
	s5 =	sand.u32 $0x1, s0;
	s0 =	stileid.u32  }
0x5: {  	s17 =	simm.s32 $0x0;
	[smem:$0x7FF] =	sst s3;
	s9 =	smul.u32 $0xA000, s0  }
0x6: {  	s4 =	sadd.s32 $0x6E000, s6;
	s1 =	sshll.u32 s5, $0x4;
	s10 =	smul.u32 $0xA0000, s5  }
0x7: {  	s13 =	ssub.s32 $0x2, s5;
	p0 =	seq.s32 s5, $0x0;
	s5 =	simm.s32 $0x38  }
0x8: {  	s31 =	sshll.u32 s0, $0x6;
	s1 =	sor.u32 s0, s1;
	s30 =	sshrl.u32 s13, $0x1  }
0x9: {  	s5 =	simm.s32 @!p0 $0x65;
	s8 =	smul.u32 $0x650, s1;
	s1 =	rddreg [dreg:$0x3]  }
0xa: {  	_ =	strace $0x8000004D;
	s10 =	sadd.s32 s9, s10;
	s12 =	sshrl.u32 s9, $0x3  }
0xb: {  	s13 =	ssub.s32 s13, s30;
	s14 =	sadd.s32 s9, s2;
	s10 =	sshrl.u32 s10, $0x3  }
0xc: {  	s12 =	sadd.s32 s12, s6;
	s11 =	sadd.s32 s8, s6;
	s10 =	sadd.s32 s10, s6  }
0xd: {  	s7 =	sadd.s32 s7, s8;
	s8 =	sadd.s32 $0x82000, s12;
	s12 =	sor.u32 $0x1C02, s31  }
0xe: {  	s6 =	sadd.s32 $0x11600, s11;
	s9 =	sadd.s32 $0x96000, s10;
	s10 =	smax.u32 s13, $0x1  }
0xf: {  	s11 =	simm.s32 $0x2;
	s13 =	sshrl.u32 s14, $0x3;
	s14 =	simm.s32 $0x80  }
.LBB2_1:
0x10: {  	[tilespmem:s3], [sflag:$0x2] =	stream.linear.gather [hbm4b:s6+s3], $0x3280, $0x38;
	[tilespmem:$0x12500] =	vst v63  }
0x11: {  	_ =	swait.ge [sflag:s11], $0x3280  }
0x12: {  	[sflag:s11] =	ssyncset.done $0x0  }
0x13: {  	s18 =	simm.s32 $0x3280;
	[sflag:s11] =	ssyncadd.s32 $0xFFFFCD80  }
0x14: {  	[tilespmem:s18], [sflag:$0x2] =	stream.linear.gather [hbm4b:s7+s3], $0x3280, $0x38;
	[tilespmem:$0x12500] =	vst v63  }
0x15: {  	_ =	swait.ge [sflag:s11], $0x3280  }
0x16: {  	[sflag:s11] =	ssyncset.done $0x0  }
0x17: {  	[sflag:s11] =	ssyncadd.s32 $0xFFFFCD80  }
0x18: {  	[spmem:s13], [sflag:s12] =	dma.local [hbm:s8], $0x1400  }
0x19: {  	_ =	swait.ge [sflag:s11], $0x1400  }
0x1a: {  	[sflag:s11] =	ssyncset.done $0x0  }
0x1b: {  	[sflag:s11] =	ssyncadd.s32 $0xFFFFEC00  }
0x1c: {  	[bflag:$0x0] =	sbarrier.arrive $0xFFFF  }
0x1d: {  	[tilespmem:s15], [sflag:$0x1] =	stream.indirect.gather [hbm4b:s4+s14], $0x40, s3, s14, $0xb8;
	[tilespmem:$0x12500] =	vst v63  }
0x1e: {  	p0 =	sne.s32 s5, $0x1;
	_ =	swait.ge [sflag:s16], $0x2000  }
.Ltmp0:
0x1f: {  	[sflag:s16] =	ssyncset.done $0x0;
	(pc) =	sbr.rel @!p0 .LBB2_3-.Ltmp0, $4  }
0x20: {  	[sflag:s16] =	ssyncadd.s32 $0xFFFFE000  }
0x21: {  	[spmem:s2] =	stream.indirect.scatter.add.f32 [tilespmem:s15], [sflag:$0x2], $0x40, s18, s14, $0xb8;
	[tilespmem:$0x12500] =	vst v63  }
0x22: {  	_ =	swait.ge [sflag:s11], $0x2000  }
0x23: {  	s19 =	sadd.s32 $0xFFFFFFFF, s5;
	s20 =	simm.s32 $0x0;
	[sflag:s11] =	ssyncset.done $0x0  }
.LBB2_2:
0x24: {  	[sflag:s11] =	ssyncadd.s32 $0xFFFFE000;
	s20 =	sadd.s32 $0x80, s20;
	s18 =	sadd.s32 $0x80, s18  }
0x25: {  	[tilespmem:s15], [sflag:$0x1] =	stream.indirect.gather [hbm4b:s4+s14], $0x40, s20, s14, $0xb8;
	[tilespmem:$0x12500] =	vst v63  }
0x26: {  	p0 =	sne.s32 s19, $0x1;
	s19 =	sadd.s32 $0xFFFFFFFF, s19;
	_ =	swait.ge [sflag:s16], $0x2000  }
.Ltmp1:
0x27: {  	[sflag:s16] =	ssyncset.done $0x0;
	(pc) =	sbr.rel @p0 .LBB2_2-.Ltmp1, $4  }
0x28: {  	[sflag:s16] =	ssyncadd.s32 $0xFFFFE000  }
0x29: {  	[spmem:s2] =	stream.indirect.scatter.add.f32 [tilespmem:s15], [sflag:$0x2], $0x40, s18, s14, $0xb8;
	[tilespmem:$0x12500] =	vst v63  }
0x2a: {  	_ =	swait.ge [sflag:s11], $0x2000  }
0x2b: {  	[sflag:s11] =	ssyncset.done $0x0  }
.LBB2_3:
0x2c: {  	s17 =	sadd.s32 $0x1, s17  }
0x2d: {  	[sflag:s11] =	ssyncadd.s32 $0xFFFFE000;
	p0 =	sne.s32 s17, s10  }
.Ltmp2:
0x2e: {  	[bflag:$0x0] =	sbarrier.arrive $0xFFFF;
	(pc) =	sbr.rel @p0 .LBB2_1-.Ltmp2, $4  }
0x2f: {  	[hbm:s9], [sflag:s12] =	dma.local [spmem:s13], $0x1400  }
0x30: {  	_ =	swait.ge [sflag:s11], $0x1400  }
0x31: {  	[sflag:s11] =	ssyncset.done $0x0  }
0x32: {  	[sflag:s11] =	ssyncadd.s32 $0xFFFFEC00  }
0x33: {  	_ =	sfence.sel $0x180000  }
0x34: {  	[bflag:$0x0] =	sbarrier.arrive $0xFFFF  }
0x35: {  	p0 =	sne.s32 s0, $0x0;
	_ =	strace $0x9000004D  }
0x36: {  	s0 =	sadd.s32 @!p0 $0x100000, s1;
	[bflag:$0x2] =	sbarrier.arrive $0xFFFF  }
0x37: {  	[sflag:s0] =	ssyncadd.tile.s32 @!p0 $0x1;
	_ =	shalt  }
.Lfunc_end2:
_tile_overlayer_lowered:
.L_overlay_start_2:
0x38: {  	(tag) =	ssettag $0x2  }
0x39: {  	s0 =	rddreg [dreg:$0x0];
	s2 =	stileid.u32  }
0x3a: {  	s1 =	rddreg [dreg:$0x1];
	p0 =	sne.s32 s2, $0x0  }
0x3b: {  	s3 =	rddreg [dreg:$0x2];
	[bflag:$0x3] =	sbarrier.arrive $0xFFFF;
	s2 =	simm.s32 @!p0 $0x1C02  }
0x3c: {  	[timem:s3], [sflag:s2] =	dma.local @!p0 [hbm:s0], s1  }
0x3d: {  	s0 =	simm.s32 @!p0 $0x2  }
0x3e: {  	_ =	swait.ge @!p0 [sflag:s0], s1  }
0x3f: {  	s1 =	ssub.s32 @!p0 $0x0, s1;
	[sflag:s0] =	ssyncset.done @!p0 $0x0  }
0x40: {  	[sflag:s0] =	ssyncadd.s32 @!p0 s1  }
0x41: {  	[bflag:$0x3] =	sbarrier.arrive $0xFFFF  }
0x42: {  	_ =	shalt  }

// kernel: kernel.8.cloned.1.call-start
scs
__scs_entry_jumppad:
0x0: {  	(pc) =	sbr.rel $0x88, $3  }
0x1: {  	(tag) =	ssettag $0x0;
	lr =	simm.s32 $0x1  }
0x2: {  	[smem:$0x3F9B] =	sst lr;
	_ =	strace $0xD0000000  }
0x3: {  	_ = 	snop  }
0x4: {  	_ = 	snop  }
0x5: {  	_ = 	snop  }
0x6: {  	_ = 	snop  }
0x7: {  	_ = 	snop  }
__scs_overlays_trampoline_lowered:
0x8: {  	[smem:$0x3FAA] =	sst s0  }
0x9: {  	[smem:$0x3FAB] =	sst s1  }
0xa: {  	[smem:$0x3FAC] =	sst s2  }
0xb: {  	[smem:$0x3FAD] =	sst s3  }
0xc: {  	[smem:$0x3FAE] =	sst s4  }
0xd: {  	[smem:$0x3FAF] =	sst s5  }
0xe: {  	[smem:$0x3FB0] =	sst s6  }
0xf: {  	[smem:$0x3FB1] =	sst s7  }
0x10: {  	[smem:$0x3FB2] =	sst s8  }
0x11: {  	[smem:$0x3FB3] =	sst s9;
	s0 =	simm.s32 @!p0 $0x0  }
0x12: {  	s1 =	sld [smem:$0x3F99];
	s0 =	simm.s32 @p0 $0x1  }
0x13: {  	[smem:$0x3FB4] =	sst s0;
	s0 =	simm.s32 @!p1 $0x0  }
0x14: {  	s2 =	sld [smem:$0x3F98];
	s0 =	simm.s32 @p1 $0x1  }
0x15: {  	[smem:$0x3FB5] =	sst s0;
	s0 =	simm.s32 @!p2 $0x0  }
0x16: {  	s3 =	sld [smem:$0x3FDB];
	s0 =	simm.s32 @p2 $0x1  }
0x17: {  	s4 =	simm.s32 $0x1BF5;
	[smem:$0x3FB7] =	sst s0  }
0x18: {  	s0 =	sld [smem:$0x3F9A];
	_ =	swait.ge [sflag:s4], $0x0  }
0x19: {  	s7 =	sld [smem:$0x3F9B]  }
0x1a: {  	s8 =	sadd.s32 $0xFFFFE003, lr  }
0x1b: {  	s9 =	sadd.s32 $0xFFFFFEF7, lr;
	s5 =	simm.s32 $0xFFFFFFFF;
	p2 =	slt.u32 s8, $0xFFFFF086  }
0x1c: {  	p1 =	slt.u32 s9, $0xF7A;
	s5 =	simm.s32 @!p2 $0x0  }
0x1d: {  	s5 =	simm.s32 @p1 $0x1;
	p0 =	seq.s32 s7, s2  }
0x1e: {  	s7 =	smul.u32 @!p0 $0xF7A, s2;
	p2 =	seq.s32 @!p0 s5, $0x0  }
0x1f: {  	s9 =	smul.u32 $0xF7A, s1;
	s8 =	simm.s32 @!p0 $0x1BF5;
	p2 =	por !p2, p0  }
0x20: {  	[sflag:s8] =	ssyncset.s32 @!p0 $0xFFFFF086;
	s6 =	sadd.s32 @!p0 s3, s7;
	s7 =	simm.s32 @!p0 $0x108  }
0x21: {  	s3 =	sadd.s32 s3, s9;
	s6 =	sadd.s32 @!p0 $0x88, s6;
	s7 =	simm.s32 @p2 $0x1082  }
0x22: {  	[simem:s7], [sflag:s8] =	dma.local @!p0 [hbm:s6], $0xF7A  }
0x23: {  	s9 =	sor.u32 $0xD0000000, s2;
	s6 =	simm.s32 $0x108;
	_ =	swait.ge @!p0 [sflag:s8], $0x0  }
0x24: {  	s3 =	sadd.s32 $0x88, s3;
	s6 =	simm.s32 @!p1 $0x1082;
	[sflag:s4] =	ssyncset.s32 $0xFFFFF086  }
0x25: {  	[simem:s6], [sflag:s4] =	dma.local [hbm:s3], $0xF7A  }
0x26: {  	[smem:$0x3F9B] =	sst s1;
	(tag) =	ssettag s2;
	_ =	strace s9  }
0x27: {  	s1 =	sld [smem:$0x3FAB]  }
0x28: {  	s2 =	sld [smem:$0x3FAC]  }
0x29: {  	s4 =	sld [smem:$0x3FAE]  }
0x2a: {  	p0 =	seq.s32 s5, $0x0;
	s5 =	sld [smem:$0x3FAF]  }
0x2b: {  	s6 =	sld [smem:$0x3FB0]  }
0x2c: {  	s7 =	sld [smem:$0x3FB1]  }
0x2d: {  	s3 =	simm.s32 $0x108;
	s8 =	sld [smem:$0x3FB2]  }
0x2e: {  	s3 =	simm.s32 @!p0 $0x1082;
	s9 =	sld [smem:$0x3FB3]  }
0x2f: {  	lr =	sadd.s32 s0, s3;
	s0 =	sld [smem:$0x3FAA]  }
0x30: {  	s3 =	sld [smem:$0x3FAD]  }
0x31: {  	[smem:$0x3FB6] =	sst s10  }
0x32: {  	s10 =	sld [smem:$0x3FB4];
	_ =	sdelay $0x3  }
0x33: {  	p0 =	seq.s32 s10, $0x1;
	s10 =	sld [smem:$0x3FB6];
	_ =	sdelay $0x3  }
0x34: {  	[smem:$0x3FB6] =	sst s10  }
0x35: {  	s10 =	sld [smem:$0x3FB5];
	_ =	sdelay $0x3  }
0x36: {  	p1 =	seq.s32 s10, $0x1;
	s10 =	sld [smem:$0x3FB6];
	_ =	sdelay $0x3  }
0x37: {  	[smem:$0x3FB6] =	sst s10  }
0x38: {  	s10 =	sld [smem:$0x3FB7]  }
0x39: {  	_ = 	snop;
	(pc) =	sbr.ind lr, $3  }
0x3a: {  	_ = 	snop  }
0x3b: {  	_ = 	snop  }
0x3c: {  	p2 =	seq.s32 s10, $0x1;
	s10 =	sld [smem:$0x3FB6]  }
0x3d: {  	_ =	shalt  }
0x3e: {  	_ =	shalt  }
0x3f: {  	_ =	shalt  }
0x40: {  	_ =	shalt  }
0x41: {  	_ =	shalt  }
0x42: {  	_ =	shalt  }
0x43: {  	_ =	shalt  }
0x44: {  	_ =	shalt  }
0x45: {  	_ =	shalt  }
0x46: {  	_ =	shalt  }
0x47: {  	_ =	shalt  }
0x48: {  	_ =	shalt  }
0x49: {  	_ =	shalt  }
0x4a: {  	_ =	shalt  }
0x4b: {  	_ =	shalt  }
0x4c: {  	_ =	shalt  }
0x4d: {  	_ =	shalt  }
0x4e: {  	_ =	shalt  }
0x4f: {  	_ =	shalt  }
0x50: {  	_ =	shalt  }
0x51: {  	_ =	shalt  }
0x52: {  	_ =	shalt  }
0x53: {  	_ =	shalt  }
0x54: {  	_ =	shalt  }
0x55: {  	_ =	shalt  }
0x56: {  	_ =	shalt  }
0x57: {  	_ =	shalt  }
0x58: {  	_ =	shalt  }
0x59: {  	_ =	shalt  }
0x5a: {  	_ =	shalt  }
0x5b: {  	_ =	shalt  }
0x5c: {  	_ =	shalt  }
0x5d: {  	_ =	shalt  }
0x5e: {  	_ =	shalt  }
0x5f: {  	_ =	shalt  }
0x60: {  	_ =	shalt  }
0x61: {  	_ =	shalt  }
0x62: {  	_ =	shalt  }
0x63: {  	_ =	shalt  }
0x64: {  	_ =	shalt  }
0x65: {  	_ =	shalt  }
0x66: {  	_ =	shalt  }
0x67: {  	_ =	shalt  }
0x68: {  	_ =	shalt  }
0x69: {  	_ =	shalt  }
0x6a: {  	_ =	shalt  }
0x6b: {  	_ =	shalt  }
0x6c: {  	_ =	shalt  }
0x6d: {  	_ =	shalt  }
0x6e: {  	_ =	shalt  }
0x6f: {  	_ =	shalt  }
0x70: {  	_ =	shalt  }
0x71: {  	_ =	shalt  }
0x72: {  	_ =	shalt  }
0x73: {  	_ =	shalt  }
0x74: {  	_ =	shalt  }
0x75: {  	_ =	shalt  }
0x76: {  	_ =	shalt  }
0x77: {  	_ =	shalt  }
0x78: {  	_ =	shalt  }
0x79: {  	_ =	shalt  }
0x7a: {  	_ =	shalt  }
0x7b: {  	_ =	shalt  }
0x7c: {  	_ =	shalt  }
0x7d: {  	_ =	shalt  }
0x7e: {  	_ =	shalt  }
0x7f: {  	_ =	shalt  }
0x80: {  	_ =	shalt  }
0x81: {  	_ =	shalt  }
0x82: {  	_ =	shalt  }
0x83: {  	_ =	shalt  }
0x84: {  	_ =	shalt  }
0x85: {  	_ =	shalt  }
0x86: {  	_ =	shalt  }
0x87: {  	_ =	shalt  }
.Lfunc_end0:
.L_simem_size_0:
called_computation_lowered:
.L_overlay_start_0:
0x88: {  	s2 =	sld [smem:$0x3FD9]  }
0x89: {  	s3 =	sld [smem:$0x3FFE];
	_ =	sdelay $0x1  }
0x8a: {  	s1 =	srdreg.scid  }
0x8b: {  	s0 =	sand.u32 $0x1, s1  }
0x8c: {  	s17 =	sshll.u32 s0, $0xA;
	s2 =	sadd.s32 s3, s2  }
0x8d: {  	s2 =	sadd.s32 s2, s17  }
0x8e: {  	[smem:$0x3FC2] =	sst s2  }
0x8f: {  	_ = 	snop  }
0x90: {  	s2 =	sld [smem:$0x3FD0];
	(tm) =	ssettm $0x1  }
0x91: {  	s18 =	sld [smem:$0x3FFB];
	_ =	sdelay $0x3  }
0x92: {  	_ =	strace s18  }
0x93: {  	s3 =	sld [smem:$0x3FFC];
	_ =	sdelay $0x3  }
0x94: {  	_ =	strace s3  }
0x95: {  	s3 =	sld [smem:$0x3FFD];
	_ =	sdelay $0x3  }
0x96: {  	_ =	strace s3  }
0x97: {  	_ =	strace $0x8FFFFFFF  }
0x98: {  	s19 =	sld [smem:$0x3FDB];
	_ =	sdelay $0x1  }
0x99: {  	s4 =	simm.s32 $_scs_section_size  }
0x9a: {  	s5 =	simm.s32 $_size__tile_overlayer_lowered;
	s6 =	simm.s32 $_tile_overlayer_lowered  }
0x9b: {  	s22 =	simm.s32 $0x1BFF;
	s21 =	sshll.u32 s6, $0x1;
	s3 =	sadd.s32 s4, s19  }
0x9c: {  	s7 =	simm.s32 $0x0;
	s20 =	sshll.u32 s5, $0x1;
	s5 =	sadd.s32 s21, s3  }
0x9d: {  	[timem:s7], [sflag:s22] =	dma.local [hbm:s5], s20  }
0x9e: {  	_ =	swait.ge [sflag:s22], s20  }
0x9f: {  	s4 =	ssub.s32 $0x0, s20;
	[sflag:s22] =	ssyncset.done $0x0  }
0xa0: {  	[sflag:s22] =	ssyncadd.s32 s4;
	_ =	sdelay $0x1  }
0xa1: {  	s23 =	simm.s32 $0x1B8B  }
0xa2: {  	_ =	swait.ge [sflag:s23], $0x1  }
0xa3: {  	[sflag:s23] =	ssyncset.done $0x0  }
0xa4: {  	s25 =	simm.s32 $0x1B8E;
	s24 =	sld [smem:$0x3FFE];
	[sflag:s23] =	ssyncadd.s32 $0xFFFFFFFF  }
0xa5: {  	s26 =	simm.s32 $execute0_lowered;
	[smem:$0x3FD2] =	sst s25  }
0xa6: {  	s5 =	sshll.u32 s26, $0x1;
	_ =	strace $0x80000046;
	[dreg:$0x1] =	wrdreg $0xFFFFFFFF  }
0xa7: {  	s28 =	simm.s32 $_size_execute0_lowered;
	s3 =	sadd.s32 s3, s5;
	[dreg:$0x0] =	wrdreg $0x0  }
0xa8: {  	s5 =	sshll.u32 s28, $0x1;
	[dreg:$0x2] =	wrdreg s3  }
0xa9: {  	[dreg:$0x3] =	wrdreg s5  }
0xaa: {  	[dreg:$0x4] =	wrdreg $0xC0  }
0xab: {  	_ =	task [dreg:s7], $0x5FFFF  }
0xac: {  	[dreg:$0x1] =	wrdreg $0xFFFFFFFF  }
0xad: {  	[dreg:$0x0] =	wrdreg $0x60  }
0xae: {  	[dreg:$0x2] =	wrdreg s2  }
0xaf: {  	[dreg:$0x3] =	wrdreg s24  }
0xb0: {  	[dreg:$0x4] =	wrdreg $0x3A800  }
0xb1: {  	[dreg:$0x5] =	wrdreg $0x9  }
0xb2: {  	_ =	task.clear_ibuf [dreg:s7], $0x6FFFF;
	_ =	strace $0x90000046  }
0xb3: {  	s29 =	simm.s32 $0x9;
	_ =	strace $0x80000048  }
0xb4: {  	_ =	swait.ge [sflag:s29], $0x1  }
0xb5: {  	[sflag:s29] =	ssyncadd.s32 $0xFFFFFFFF  }
0xb6: {  	_ =	strace $0x90000048  }
0xb7: {  	_ =	sfence  }
0xb8: {  	s30 =	sld [smem:$0x0];
	_ =	sdelay $0x2  }
0xb9: {  	s31 =	sshll.u32 s1, $0xD;
	s1 =	sshrl.u32 s1, $0x2  }
0xba: {  	s3 =	sand.u32 $0x4000, s31;
	s1 =	sadd.s32 s1, s30  }
0xbb: {  	s0 =	sor.u32 s3, s0;
	s1 =	sshll.u32 s1, $0x11  }
0xbc: {  	s0 =	sor.u32 s1, s0  }
0xbd: {  	s0 =	sadd.s32 $0x8F2B, s0  }
0xbe: {  	[sflag:s0] =	ssyncadd.remote.s32 $0x1  }
0xbf: {  	_ =	sfence.sel $0xFFFF  }
0xc0: {  	[dreg:$0x0] =	wrdreg $0xFFFFFFFF;
	(pc) =	sbr.abs _section_cstart, $3  }
0xc1: {  	[dreg:$0x1] =	wrdreg $0xFFFFFFFF  }
0xc2: {  	_ =	task.clear_ibuf [dreg:s7], $0x2FFFF;
	_ =	strace $0x9FFFFFFF  }
0xc3: {  	(tm) =	ssettm $0x7FFFFFFF  }
tec
execute0_lowered:
.L_overlay_start_1:
0x0: {  	(tag) =	ssettag $0x1  }
0x1: {  	s6 =	rddreg [dreg:$0x0]  }
0x2: {  	s7 =	rddreg [dreg:$0x1]  }
0x3: {  	s2 =	rddreg [dreg:$0x2];
	s0 =	stileid.u32  }
0x4: {  	s4 =	srdreg.scid;
	s1 =	rddreg [dreg:$0x3]  }
0x5: {  	s3 =	simm.s32 $0x0;
	s14 =	simm.s32 $0x80;
	s15 =	simm.s32 $0x0  }
0x6: {  	s8 =	smul.u32 $0x2800, s0;
	s5 =	sand.u32 $0x1, s4;
	[smem:$0x7FF] =	sst s3  }
0x7: {  	s4 =	sadd.s32 $0x7400, s7;
	s31 =	sshll.u32 s0, $0x6;
	s10 =	smul.u32 $0x28000, s5  }
0x8: {  	_ =	strace $0x80000047;
	s11 =	ssub.s32 $0x2, s5;
	s12 =	sshll.u32 s5, $0x4  }
0x9: {  	p0 =	seq.s32 s5, $0x0;
	s5 =	simm.s32 $0x38;
	s9 =	sshrl.u32 s8, $0x3  }
0xa: {  	s13 =	sshrl.u32 s11, $0x1;
	s12 =	sor.u32 s0, s12;
	s5 =	simm.s32 @!p0 $0x65  }
0xb: {  	s30 =	sadd.s32 s8, s2;
	s10 =	sadd.s32 s8, s10;
	s12 =	smul.u32 $0x650, s12  }
0xc: {  	s9 =	sadd.s32 s9, s7;
	s11 =	ssub.s32 s11, s13;
	s10 =	sshrl.u32 s10, $0x3  }
0xd: {  	s13 =	sshrl.u32 s30, $0x3;
	s10 =	sadd.s32 s10, s7;
	s6 =	sadd.s32 s6, s12  }
0xe: {  	s7 =	sadd.s32 $0x2400, s9;
	s9 =	smax.u32 s11, $0x1;
	s11 =	simm.s32 $0x3280  }
0xf: {  	s12 =	sor.u32 $0x1C01, s31;
	s8 =	sadd.s32 $0x7600, s10;
	s10 =	simm.s32 $0x1  }
.LBB2_1:
0x10: {  	[tilespmem:s3], [sflag:$0x1] =	stream.linear.gather [hbm4b:s6+s3], $0x3280, $0x38;
	[tilespmem:$0x6280] =	vst v63  }
0x11: {  	_ =	swait.ge [sflag:s10], $0x3280  }
0x12: {  	[sflag:s10] =	ssyncset.done $0x0  }
0x13: {  	[sflag:s10] =	ssyncadd.s32 $0xFFFFCD80  }
0x14: {  	[tilespmem:s11], [sflag:$0x1] =	stream.linear.gather [hbm4b:s4+s3], $0x800, $0x38;
	[tilespmem:$0x6280] =	vst v63  }
0x15: {  	_ =	swait.ge [sflag:s10], $0x800  }
0x16: {  	[sflag:s10] =	ssyncset.done $0x0  }
0x17: {  	[sflag:s10] =	ssyncadd.s32 $0xFFFFF800  }
0x18: {  	[spmem:s13], [sflag:s12] =	dma.local [hbm:s7], $0x500  }
0x19: {  	_ =	swait.ge [sflag:s10], $0x500  }
0x1a: {  	p0 =	sne.s32 s5, $0x1;
	[sflag:s10] =	ssyncset.done $0x0  }
.Ltmp0:
0x1b: {  	[sflag:s10] =	ssyncadd.s32 $0xFFFFFB00;
	(pc) =	sbr.rel @!p0 .LBB2_3-.Ltmp0, $4  }
0x1c: {  	[bflag:$0x0] =	sbarrier.arrive $0xFFFF  }
0x1d: {  	[spmem:s2] =	stream.indirect.scatter.add.f32 [tilespmem:s11], [sflag:$0x1], $0x10, s3, s14, $0xb8;
	[tilespmem:$0x6280] =	vst v63  }
0x1e: {  	_ =	swait.ge [sflag:s10], $0x800  }
0x1f: {  	s16 =	sadd.s32 $0xFFFFFFFF, s5;
	s17 =	simm.s32 $0x0;
	[sflag:s10] =	ssyncset.done $0x0  }
.LBB2_2:
0x20: {  	p0 =	sne.s32 s16, $0x1;
	[sflag:s10] =	ssyncadd.s32 $0xFFFFF800;
	s17 =	sadd.s32 $0x80, s17  }
.Ltmp1:
0x21: {  	s16 =	sadd.s32 $0xFFFFFFFF, s16;
	(pc) =	sbr.rel @p0 .LBB2_2-.Ltmp1, $4  }
0x22: {  	_ = 	snop  }
0x23: {  	[spmem:s2] =	stream.indirect.scatter.add.f32 [tilespmem:s11], [sflag:$0x1], $0x10, s17, s14, $0xb8;
	[tilespmem:$0x6280] =	vst v63  }
0x24: {  	_ =	swait.ge [sflag:s10], $0x800  }
0x25: {  	[sflag:s10] =	ssyncset.done $0x0  }
.LBB2_3:
0x26: {  	s15 =	sadd.s32 $0x1, s15  }
0x27: {  	[sflag:s10] =	ssyncadd.s32 $0xFFFFF800;
	p0 =	sne.s32 s15, s9  }
.Ltmp2:
0x28: {  	[bflag:$0x0] =	sbarrier.arrive $0xFFFF;
	(pc) =	sbr.rel @p0 .LBB2_1-.Ltmp2, $4  }
0x29: {  	[hbm:s8], [sflag:s12] =	dma.local [spmem:s13], $0x500  }
0x2a: {  	_ =	swait.ge [sflag:s10], $0x500  }
0x2b: {  	[sflag:s10] =	ssyncset.done $0x0  }
0x2c: {  	[sflag:s10] =	ssyncadd.s32 $0xFFFFFB00  }
0x2d: {  	_ =	sfence.sel $0x180000  }
0x2e: {  	[bflag:$0x0] =	sbarrier.arrive $0xFFFF  }
0x2f: {  	p0 =	sne.s32 s0, $0x0;
	_ =	strace $0x90000047  }
0x30: {  	s0 =	sadd.s32 @!p0 $0x100000, s1;
	[bflag:$0x2] =	sbarrier.arrive $0xFFFF  }
0x31: {  	[sflag:s0] =	ssyncadd.tile.s32 @!p0 $0x1;
	_ =	shalt  }
.Lfunc_end2:
_tile_overlayer_lowered:
.L_overlay_start_2:
0x32: {  	(tag) =	ssettag $0x2  }
0x33: {  	s0 =	rddreg [dreg:$0x0];
	s2 =	stileid.u32  }
0x34: {  	s1 =	rddreg [dreg:$0x1];
	p0 =	sne.s32 s2, $0x0  }
0x35: {  	s3 =	rddreg [dreg:$0x2];
	[bflag:$0x3] =	sbarrier.arrive $0xFFFF;
	s2 =	simm.s32 @!p0 $0x1C01  }
0x36: {  	[timem:s3], [sflag:s2] =	dma.local @!p0 [hbm:s0], s1  }
0x37: {  	s0 =	simm.s32 @!p0 $0x1  }
0x38: {  	_ =	swait.ge @!p0 [sflag:s0], s1  }
0x39: {  	s1 =	ssub.s32 @!p0 $0x0, s1;
	[sflag:s0] =	ssyncset.done @!p0 $0x0  }
0x3a: {  	[sflag:s0] =	ssyncadd.s32 @!p0 s1  }
0x3b: {  	[bflag:$0x3] =	sbarrier.arrive $0xFFFF  }
0x3c: {  	_ =	shalt  }

</sc_bundles>
